<compile_context>
chip_gen: v7x
topology: tpu7x:2x2x1
jax: 0.10.2.dev20260603
libtpu: 0.0.44.dev20260713+nightly
codegen_flags: <defaults>
</compile_context>

<pallas_src>
import functools

import jax
import jax.numpy as jnp
from jax import lax
from jax.experimental import pallas as pl
from jax.experimental.pallas import tpu as pltpu
from jax.experimental.pallas import tpu_sc as plsc

B, C, N, K, O = 4, 64, 4096, 20, 64
KPAD = 32
T = 1024
T2 = 128
T3 = 512
NW = 32
TOTB = K * N
ROWS_PER_W = TOTB // NW
CH = 128
NCH = ROWS_PER_W // CH


def _knn_body(xf_ref, xt_ref, w_ref, idx_ref, y1_ref, y2_ref, s_ref):
    xb = xf_ref[...]
    xs = xt_ref[...]
    w = w_ref[...]
    inner = lax.dot_general(xs, xb, (((0,), (0,)), ((), ())),
                            preferred_element_type=jnp.float32)
    nf = jnp.sum(xb * xb, axis=0, keepdims=True)
    nt = jnp.sum(xs * xs, axis=0)[:, None]
    s_ref[...] = (2.0 * inner - nt) - nf

    w1pad = jnp.concatenate([w[:, :C], jnp.zeros((O, C), jnp.float32)],
                            axis=0)
    y1_ref[...] = lax.dot_general(xs, w1pad, (((0,), (1,)), ((), ())),
                                  preferred_element_type=jnp.float32)
    y2_ref[...] = lax.dot_general(xs, w[:, C:], (((0,), (1,)), ((), ())),
                                  preferred_element_type=jnp.float32)

    col = lax.broadcasted_iota(jnp.int32, (T, N), 1)

    def body(k, _):
        s = s_ref[...]
        mx = jnp.max(s, axis=1)
        eq = s == mx[:, None]
        a = jnp.min(jnp.where(eq, col, N), axis=1).astype(jnp.int32)
        idx_ref[pl.ds(k, 1), :] = a[None, :]
        s_ref[...] = jnp.where(col == a[:, None], -jnp.inf, s)
        return 0

    lax.fori_loop(0, K, body, 0)


_knn_call = pl.pallas_call(
    _knn_body,
    grid=(N // T,),
    in_specs=[
        pl.BlockSpec((C, N), lambda j: (0, 0)),
        pl.BlockSpec((C, T), lambda j: (0, j)),
        pl.BlockSpec((O, 2 * C), lambda j: (0, 0)),
    ],
    out_specs=[
        pl.BlockSpec((KPAD, T), lambda j: (0, j)),
        pl.BlockSpec((T, 2 * O), lambda j: (j, 0)),
        pl.BlockSpec((T, O), lambda j: (j, 0)),
    ],
    out_shape=[
        jax.ShapeDtypeStruct((KPAD, N), jnp.int32),
        jax.ShapeDtypeStruct((N, 2 * O), jnp.float32),
        jax.ShapeDtypeStruct((N, O), jnp.float32),
    ],
    scratch_shapes=[pltpu.VMEM((T, N), jnp.float32)],
)


@functools.cache
def _make_sc_gather():
    return functools.partial(
        pl.kernel,
        mesh=plsc.VectorSubcoreMesh(core_axis_name="c", subcore_axis_name="s"),
        out_type=jax.ShapeDtypeStruct((TOTB, 2 * O), jnp.float32),
        scratch_types=[
            pltpu.VMEM((NCH, CH), jnp.int32),
            pltpu.VMEM((CH, 2 * O), jnp.float32),
            pltpu.VMEM((CH, 2 * O), jnp.float32),
            pltpu.SemaphoreType.DMA,
            pltpu.SemaphoreType.DMA,
        ],
    )(_sc_gather_body)


def _sc_gather_body(table_hbm, idx_hbm, out_hbm, idx_v, buf0, buf1, sem0, sem1):
    wid = lax.axis_index("s") * 2 + lax.axis_index("c")
    pltpu.sync_copy(idx_hbm.at[wid], idx_v)
    base = wid * ROWS_PER_W

    def start(i, buf, sem):
        return pltpu.async_copy(table_hbm.at[idx_v.at[i]], buf, sem)

    def drain(i, buf, cp):
        cp.wait()
        off = pl.multiple_of(base + i * CH, CH)
        pltpu.sync_copy(buf, out_hbm.at[pl.ds(off, CH)])

    def body(i, _):
        cp0 = start(2 * i, buf0, sem0)
        cp1 = start(2 * i + 1, buf1, sem1)
        drain(2 * i, buf0, cp0)
        drain(2 * i + 1, buf1, cp1)
        return 0

    lax.fori_loop(0, NCH // 2, body, 0)


def _pool_body(g_ref, y2_ref, m_ref, st_ref):
    y2 = y2_ref[...]
    m = jnp.full((T2, O), -jnp.inf, jnp.float32)
    zs = jnp.zeros((T2, O), jnp.float32)
    zq = jnp.zeros((T2, O), jnp.float32)
    for k in range(K):
        z = g_ref[k, :, :O] + y2
        m = jnp.maximum(m, z)
        zs = zs + z
        zq = zq + z * z
    m_ref[...] = m
    s = jnp.sum(zs, axis=0)
    q = jnp.sum(zq, axis=0)
    zero = jnp.zeros((O,), jnp.float32)
    blk = jnp.concatenate([
        jnp.concatenate([s, zero])[None, :],
        jnp.concatenate([q, zero])[None, :],
        jnp.zeros((6, 128), jnp.float32),
    ], axis=0)

    @pl.when(pl.program_id(0) == 0)
    def _():
        st_ref[...] = jnp.zeros((8, 128), jnp.float32)

    st_ref[...] += blk


_pool_call = pl.pallas_call(
    _pool_body,
    grid=(N // T2,),
    in_specs=[
        pl.BlockSpec((K, T2, 2 * O), lambda j: (0, j, 0)),
        pl.BlockSpec((T2, O), lambda j: (j, 0)),
    ],
    out_specs=[
        pl.BlockSpec((T2, O), lambda j: (j, 0)),
        pl.BlockSpec((8, 128), lambda j: (0, 0)),
    ],
    out_shape=[
        jax.ShapeDtypeStruct((N, O), jnp.float32),
        jax.ShapeDtypeStruct((8, 128), jnp.float32),
    ],
)


def _norm_body(m_ref, st_ref, aux_ref, o_ref):
    m = m_ref[...]
    s = st_ref[0, :O]
    q = st_ref[1, :O]
    gamma = aux_ref[0, :O]
    beta = aux_ref[1, :O]
    cnt = jnp.float32(B * N * K)
    mean = s / cnt
    var = q / cnt - mean * mean
    inv = lax.rsqrt(var + 1e-5)
    scale = inv * gamma
    shift = beta - mean * scale
    o = m * scale[None, :] + shift[None, :]
    o_ref[...] = jnp.where(o > 0, o, 0.2 * o)


_norm_call = pl.pallas_call(
    _norm_body,
    grid=(N // T3,),
    in_specs=[
        pl.BlockSpec((T3, O), lambda j: (j, 0)),
        pl.BlockSpec((8, 128), lambda j: (0, 0)),
        pl.BlockSpec((8, 128), lambda j: (0, 0)),
    ],
    out_specs=pl.BlockSpec((T3, O), lambda j: (j, 0)),
    out_shape=jax.ShapeDtypeStruct((N, O), jnp.float32),
)


def kernel(x, W, gamma, beta):
    scg = _make_sc_gather()
    ms, sts = [], []
    for b in range(B):
        xb = x[b]
        idxT, y1t, y2t = _knn_call(xb, xb, W)
        idx3d = idxT[:K, :].reshape(NW, NCH, CH)
        g = scg(y1t, idx3d)
        m_b, st_b = _pool_call(g.reshape(K, N, 2 * O), y2t)
        ms.append(m_b)
        sts.append(st_b)
    stats = sts[0] + sts[1] + sts[2] + sts[3]
    aux = (jnp.zeros((8, 128), jnp.float32)
           .at[0, :O].set(gamma).at[1, :O].set(beta))
    o = jnp.stack([_norm_call(m_b, stats, aux) for m_b in ms])
    return o.transpose(0, 2, 1)

# --- scband reference (transcript-rebuilt; emitter-appended) ---
"""Pipeline reference for scband-edge-conv-41205916238313 (READ-ONLY COPY).

The authoritative reference and input builder live on the scoring server;
editing this copy changes nothing except your own understanding.
"""

import jax, jax.numpy as jnp
import numpy as np

B, C_IN, N, K, C_OUT = 4, 64, 4096, 20, 64


def setup_inputs(seed: int = 0) -> dict:
    key = jax.random.key(seed)
    k1, k2 = jax.random.split(key, 2)
    x = jax.random.normal(k1, (B, C_IN, N), dtype=jnp.float32)
    W = jax.random.normal(k2, (C_OUT, 2 * C_IN), dtype=jnp.float32) * 0.05
    gamma = jnp.ones((C_OUT,), dtype=jnp.float32)
    beta = jnp.zeros((C_OUT,), dtype=jnp.float32)
    return {"x": x, "W": W, "gamma": gamma, "beta": beta}


def _knn_idx(x, k):
    # x: [B, C, N]
    inner = -2.0 * jnp.einsum('bcn,bcm->bnm', x, x)
    xx = jnp.sum(x ** 2, axis=1, keepdims=True)  # [B,1,N]
    pairwise = -xx - inner - jnp.transpose(xx, (0, 2, 1))  # [B,N,N]
    idx = jax.lax.top_k(pairwise, k)[1]  # [B,N,k]
    return idx


def _forward(x, W, gamma, beta):
    b, c, n = x.shape
    idx = _knn_idx(x, K)  # [B,N,K] int32, non-differentiable
    x_t = jnp.transpose(x, (0, 2, 1))  # [B,N,C]
    # gather neighbor features: [B,N,K,C]
    feature = x_t[jnp.arange(b)[:, None, None], idx]
    x_rep = jnp.broadcast_to(x_t[:, :, None, :], (b, n, K, c))
    feat = jnp.concatenate([feature, x_rep], axis=3)  # [B,N,K,2C]
    feat = jnp.transpose(feat, (0, 3, 1, 2))  # [B,2C,N,K]
    # 1x1 Conv2d (no bias)
    out = jnp.einsum('oc,bcnk->bonk', W, feat)  # [B,C_OUT,N,K]
    # BatchNorm2d in training mode: batch statistics over (B, N, K)
    mean = jnp.mean(out, axis=(0, 2, 3), keepdims=True)
    var = jnp.var(out, axis=(0, 2, 3), keepdims=True)
    out = (out - mean) / jnp.sqrt(var + 1e-5)
    out = out * gamma[None, :, None, None] + beta[None, :, None, None]
    # LeakyReLU(0.2)
    out = jnp.where(out > 0, out, 0.2 * out)
    # max over neighbors
    return jnp.max(out, axis=-1)  # [B,C_OUT,N]


def reference(x, W, gamma, beta):
    return _forward(x, W, gamma, beta)

if __name__ == "__main__":
    import jax
    _d = setup_inputs()
    print(jax.jit(kernel)(*tuple(_d.values())))

</pallas_src>

<mosaic_0001>
#map = affine_map<(d0, d1) -> (0, 0)>
#map1 = affine_map<(d0, d1) -> (0, 0, 0)>
module attributes {stable_mosaic.version = 14 : i64} {
  func.func @_sc_gather_body(%arg0: i32, %arg1: i32, %arg2: memref<4096x128xf32, #tpu.memory_space<hbm>>, %arg3: memref<32x20x128xi32, #tpu.memory_space<hbm>>, %arg4: memref<81920x128xf32, #tpu.memory_space<hbm>>, %arg5: memref<20x128xi32, #tpu.memory_space<vmem>>, %arg6: memref<128x128xf32, #tpu.memory_space<vmem>>, %arg7: memref<128x128xf32, #tpu.memory_space<vmem>>, %arg8: memref<!tpu.dma_semaphore, #tpu.memory_space<semaphore_mem>>, %arg9: memref<!tpu.dma_semaphore, #tpu.memory_space<semaphore_mem>>) attributes {dimension_semantics = [#tpu.dimension_semantics<core_parallel>, #tpu.dimension_semantics<subcore_parallel>], iteration_bounds = array<i64: 2, 16>, scalar_prefetch = 0 : i64, scratch_operands = 5 : i64, tpu.core_type = #tpu.core_type<sc_vector_subcore>, window_params = [{transform_indices = #map}, {transform_indices = #map1}, {transform_indices = #map}]} {
    %mul3A = arith.constant 2 : i32
    %mul3A_0 = arith.muli %arg1, %mul3A : i32
    %add3A = arith.addi %mul3A_0, %arg0 : i32
    "tpu.region"() ({
      %run_scoped3A = tpu.sem_alloc : memref<!tpu.dma_semaphore, #tpu.memory_space<semaphore_mem>>
      %dma_start3A = arith.constant 0 : i32
      %dma_start3A_9 = arith.constant 0 : i32
      %dma_start3A_10 = tpu.memref_slice %arg3[%add3A, %dma_start3A, %dma_start3A_9] : memref<32x20x128xi32, #tpu.memory_space<hbm>> -> memref<1x20x128xi32, #tpu.memory_space<hbm>>
      %dma_start3A_11 = tpu.memref_squeeze %dma_start3A_10 : memref<1x20x128xi32, #tpu.memory_space<hbm>> -> memref<20x128xi32, #tpu.memory_space<hbm>>
      %dma_start3A_12 = arith.constant 0 : i32
      %dma_start3A_13 = arith.constant 0 : i32
      %dma_start3A_14 = tpu.memref_slice %arg3[%add3A, %dma_start3A_12, %dma_start3A_13] : memref<32x20x128xi32, #tpu.memory_space<hbm>> -> memref<1x20x128xi32, #tpu.memory_space<hbm>>
      %dma_start3A_15 = tpu.memref_squeeze %dma_start3A_14 : memref<1x20x128xi32, #tpu.memory_space<hbm>> -> memref<20x128xi32, #tpu.memory_space<hbm>>
      tpu.enqueue_dma source(%dma_start3A_15 : memref<20x128xi32, #tpu.memory_space<hbm>>) target(%arg5 : memref<20x128xi32, #tpu.memory_space<vmem>>) target_semaphore(%run_scoped3A : memref<!tpu.dma_semaphore, #tpu.memory_space<semaphore_mem>>)
      %dma_wait3A = arith.constant 0 : i32
      %dma_wait3A_16 = arith.constant 0 : i32
      %dma_wait3A_17 = tpu.memref_slice %arg3[%add3A, %dma_wait3A, %dma_wait3A_16] : memref<32x20x128xi32, #tpu.memory_space<hbm>> -> memref<1x20x128xi32, #tpu.memory_space<hbm>>
      %dma_wait3A_18 = tpu.memref_squeeze %dma_wait3A_17 : memref<1x20x128xi32, #tpu.memory_space<hbm>> -> memref<20x128xi32, #tpu.memory_space<hbm>>
      %dma_wait3A_19 = arith.constant 0 : i32
      %dma_wait3A_20 = arith.constant 0 : i32
      %dma_wait3A_21 = tpu.memref_slice %arg3[%add3A, %dma_wait3A_19, %dma_wait3A_20] : memref<32x20x128xi32, #tpu.memory_space<hbm>> -> memref<1x20x128xi32, #tpu.memory_space<hbm>>
      %dma_wait3A_22 = tpu.memref_squeeze %dma_wait3A_21 : memref<1x20x128xi32, #tpu.memory_space<hbm>> -> memref<20x128xi32, #tpu.memory_space<hbm>>
      tpu.wait_dma2 semaphore(%run_scoped3A : memref<!tpu.dma_semaphore, #tpu.memory_space<semaphore_mem>>) src(%dma_wait3A_22 : memref<20x128xi32, #tpu.memory_space<hbm>>) dst(%arg5 : memref<20x128xi32, #tpu.memory_space<vmem>>)
      tpu.yield
    }) : () -> ()
    %mul3A_1 = arith.constant 2560 : i32
    %mul3A_2 = arith.muli %add3A, %mul3A_1 : i32
    %scan3A = arith.constant 0 : i32
    %scan3A_3 = arith.constant 0 : i32
    %scan3A_4 = arith.constant 10 : i32
    %scan3A_5 = arith.addi %scan3A_3, %scan3A_4 : i32
    %scan3A_6 = arith.constant 1 : i32
    %scan3A_7 = scf.for %scan3A_9 = %scan3A_3 to %scan3A_5 step %scan3A_6 iter_args(%scan3A_10 = %scan3A) -> (i32)  : i32 {
      %mul3A_11 = arith.constant 2 : i32
      %mul3A_12 = arith.muli %mul3A_11, %scan3A_9 : i32
      %dma_start3A = arith.constant 0 : i32
      %dma_start3A_13 = tpu.memref_slice %arg5[%mul3A_12, %dma_start3A] : memref<20x128xi32, #tpu.memory_space<vmem>> -> memref<1x128xi32, #tpu.memory_space<vmem>>
      %dma_start3A_14 = tpu.memref_squeeze %dma_start3A_13 : memref<1x128xi32, #tpu.memory_space<vmem>> -> memref<128xi32, #tpu.memory_space<vmem>>
      %dma_start3A_15 = arith.constant 0 : i32
      %dma_start3A_16 = arith.constant 0 : i32
      %dma_start3A_17 = tpu.memref_slice %arg2[%dma_start3A_15, %dma_start3A_16] : memref<4096x128xf32, #tpu.memory_space<hbm>> -> memref<4096x128xf32, #tpu.memory_space<hbm>>
      tpu.enqueue_indirect_dma source(%dma_start3A_17 : memref<4096x128xf32, #tpu.memory_space<hbm>>) target(%arg6 : memref<128x128xf32, #tpu.memory_space<vmem>>) offsets(%dma_start3A_14 : memref<128xi32, #tpu.memory_space<vmem>>) semaphore(%arg8 : memref<!tpu.dma_semaphore, #tpu.memory_space<semaphore_mem>>)
      %mul3A_18 = arith.constant 2 : i32
      %mul3A_19 = arith.muli %mul3A_18, %scan3A_9 : i32
      %add3A_20 = arith.constant 1 : i32
      %add3A_21 = arith.addi %mul3A_19, %add3A_20 : i32
      %dma_start3A_22 = arith.constant 0 : i32
      %dma_start3A_23 = tpu.memref_slice %arg5[%add3A_21, %dma_start3A_22] : memref<20x128xi32, #tpu.memory_space<vmem>> -> memref<1x128xi32, #tpu.memory_space<vmem>>
      %dma_start3A_24 = tpu.memref_squeeze %dma_start3A_23 : memref<1x128xi32, #tpu.memory_space<vmem>> -> memref<128xi32, #tpu.memory_space<vmem>>
      %dma_start3A_25 = arith.constant 0 : i32
      %dma_start3A_26 = arith.constant 0 : i32
      %dma_start3A_27 = tpu.memref_slice %arg2[%dma_start3A_25, %dma_start3A_26] : memref<4096x128xf32, #tpu.memory_space<hbm>> -> memref<4096x128xf32, #tpu.memory_space<hbm>>
      tpu.enqueue_indirect_dma source(%dma_start3A_27 : memref<4096x128xf32, #tpu.memory_space<hbm>>) target(%arg7 : memref<128x128xf32, #tpu.memory_space<vmem>>) offsets(%dma_start3A_24 : memref<128xi32, #tpu.memory_space<vmem>>) semaphore(%arg9 : memref<!tpu.dma_semaphore, #tpu.memory_space<semaphore_mem>>)
      %mul3A_28 = arith.constant 2 : i32
      %mul3A_29 = arith.muli %mul3A_28, %scan3A_9 : i32
      %dma_wait3A = arith.constant 0 : i32
      %dma_wait3A_30 = tpu.memref_slice %arg5[%mul3A_12, %dma_wait3A] : memref<20x128xi32, #tpu.memory_space<vmem>> -> memref<1x128xi32, #tpu.memory_space<vmem>>
      %dma_wait3A_31 = tpu.memref_squeeze %dma_wait3A_30 : memref<1x128xi32, #tpu.memory_space<vmem>> -> memref<128xi32, #tpu.memory_space<vmem>>
      %dma_wait3A_32 = arith.constant 0 : i32
      %dma_wait3A_33 = arith.constant 0 : i32
      %dma_wait3A_34 = tpu.memref_slice %arg2[%dma_wait3A_32, %dma_wait3A_33] : memref<4096x128xf32, #tpu.memory_space<hbm>> -> memref<4096x128xf32, #tpu.memory_space<hbm>>
      tpu.wait_indirect_dma semaphore(%arg8 : memref<!tpu.dma_semaphore, #tpu.memory_space<semaphore_mem>>) src(%dma_wait3A_34 : memref<4096x128xf32, #tpu.memory_space<hbm>>) dst(%arg6 : memref<128x128xf32, #tpu.memory_space<vmem>>)
      %mul3A_35 = arith.constant 128 : i32
      %mul3A_36 = arith.muli %mul3A_29, %mul3A_35 : i32
      %add3A_37 = arith.addi %mul3A_2, %mul3A_36 : i32
      %multiple_of3A = tpu.assume_multiple %add3A_37, 128 : i32
      "tpu.region"() ({
        %run_scoped3A = tpu.sem_alloc : memref<!tpu.dma_semaphore, #tpu.memory_space<semaphore_mem>>
        %dma_start3A_53 = arith.constant 0 : i32
        %dma_start3A_54 = tpu.memref_slice %arg4[%multiple_of3A, %dma_start3A_53] : memref<81920x128xf32, #tpu.memory_space<hbm>> -> memref<128x128xf32, #tpu.memory_space<hbm>>
        %dma_start3A_55 = arith.constant 0 : i32
        %dma_start3A_56 = tpu.memref_slice %arg4[%multiple_of3A, %dma_start3A_55] : memref<81920x128xf32, #tpu.memory_space<hbm>> -> memref<128x128xf32, #tpu.memory_space<hbm>>
        tpu.enqueue_dma source(%arg6 : memref<128x128xf32, #tpu.memory_space<vmem>>) target(%dma_start3A_56 : memref<128x128xf32, #tpu.memory_space<hbm>>) target_semaphore(%run_scoped3A : memref<!tpu.dma_semaphore, #tpu.memory_space<semaphore_mem>>)
        %dma_wait3A_57 = arith.constant 0 : i32
        %dma_wait3A_58 = tpu.memref_slice %arg4[%multiple_of3A, %dma_wait3A_57] : memref<81920x128xf32, #tpu.memory_space<hbm>> -> memref<128x128xf32, #tpu.memory_space<hbm>>
        %dma_wait3A_59 = arith.constant 0 : i32
        %dma_wait3A_60 = tpu.memref_slice %arg4[%multiple_of3A, %dma_wait3A_59] : memref<81920x128xf32, #tpu.memory_space<hbm>> -> memref<128x128xf32, #tpu.memory_space<hbm>>
        tpu.wait_dma2 semaphore(%run_scoped3A : memref<!tpu.dma_semaphore, #tpu.memory_space<semaphore_mem>>) src(%arg6 : memref<128x128xf32, #tpu.memory_space<vmem>>) dst(%dma_wait3A_60 : memref<128x128xf32, #tpu.memory_space<hbm>>)
        tpu.yield
      }) : () -> ()
      %mul3A_38 = arith.constant 2 : i32
      %mul3A_39 = arith.muli %mul3A_38, %scan3A_9 : i32
      %add3A_40 = arith.constant 1 : i32
      %add3A_41 = arith.addi %mul3A_39, %add3A_40 : i32
      %dma_wait3A_42 = arith.constant 0 : i32
      %dma_wait3A_43 = tpu.memref_slice %arg5[%add3A_21, %dma_wait3A_42] : memref<20x128xi32, #tpu.memory_space<vmem>> -> memref<1x128xi32, #tpu.memory_space<vmem>>
      %dma_wait3A_44 = tpu.memref_squeeze %dma_wait3A_43 : memref<1x128xi32, #tpu.memory_space<vmem>> -> memref<128xi32, #tpu.memory_space<vmem>>
      %dma_wait3A_45 = arith.constant 0 : i32
      %dma_wait3A_46 = arith.constant 0 : i32
      %dma_wait3A_47 = tpu.memref_slice %arg2[%dma_wait3A_45, %dma_wait3A_46] : memref<4096x128xf32, #tpu.memory_space<hbm>> -> memref<4096x128xf32, #tpu.memory_space<hbm>>
      tpu.wait_indirect_dma semaphore(%arg9 : memref<!tpu.dma_semaphore, #tpu.memory_space<semaphore_mem>>) src(%dma_wait3A_47 : memref<4096x128xf32, #tpu.memory_space<hbm>>) dst(%arg7 : memref<128x128xf32, #tpu.memory_space<vmem>>)
      %mul3A_48 = arith.constant 128 : i32
      %mul3A_49 = arith.muli %add3A_41, %mul3A_48 : i32
      %add3A_50 = arith.addi %mul3A_2, %mul3A_49 : i32
      %multiple_of3A_51 = tpu.assume_multiple %add3A_50, 128 : i32
      "tpu.region"() ({
        %run_scoped3A = tpu.sem_alloc : memref<!tpu.dma_semaphore, #tpu.memory_space<semaphore_mem>>
        %dma_start3A_53 = arith.constant 0 : i32
        %dma_start3A_54 = tpu.memref_slice %arg4[%multiple_of3A_51, %dma_start3A_53] : memref<81920x128xf32, #tpu.memory_space<hbm>> -> memref<128x128xf32, #tpu.memory_space<hbm>>
        %dma_start3A_55 = arith.constant 0 : i32
        %dma_start3A_56 = tpu.memref_slice %arg4[%multiple_of3A_51, %dma_start3A_55] : memref<81920x128xf32, #tpu.memory_space<hbm>> -> memref<128x128xf32, #tpu.memory_space<hbm>>
        tpu.enqueue_dma source(%arg7 : memref<128x128xf32, #tpu.memory_space<vmem>>) target(%dma_start3A_56 : memref<128x128xf32, #tpu.memory_space<hbm>>) target_semaphore(%run_scoped3A : memref<!tpu.dma_semaphore, #tpu.memory_space<semaphore_mem>>)
        %dma_wait3A_57 = arith.constant 0 : i32
        %dma_wait3A_58 = tpu.memref_slice %arg4[%multiple_of3A_51, %dma_wait3A_57] : memref<81920x128xf32, #tpu.memory_space<hbm>> -> memref<128x128xf32, #tpu.memory_space<hbm>>
        %dma_wait3A_59 = arith.constant 0 : i32
        %dma_wait3A_60 = tpu.memref_slice %arg4[%multiple_of3A_51, %dma_wait3A_59] : memref<81920x128xf32, #tpu.memory_space<hbm>> -> memref<128x128xf32, #tpu.memory_space<hbm>>
        tpu.wait_dma2 semaphore(%run_scoped3A : memref<!tpu.dma_semaphore, #tpu.memory_space<semaphore_mem>>) src(%arg7 : memref<128x128xf32, #tpu.memory_space<vmem>>) dst(%dma_wait3A_60 : memref<128x128xf32, #tpu.memory_space<hbm>>)
        tpu.yield
      }) : () -> ()
      %scan3A_52 = arith.constant 0 : i32
      scf.yield %scan3A_52 : i32
    }
    %scan3A_8 = arith.constant 10 : i32
    return
  }
}

#map = affine_map<(d0, d1) -> (0, 0)>
#map1 = affine_map<(d0, d1) -> (0, 0, 0)>
module attributes {stable_mosaic.version = 14 : i64} {
  func.func @_sc_gather_body(%arg0: i32, %arg1: i32, %arg2: memref<4096x128xf32, #tpu.memory_space<hbm>>, %arg3: memref<32x20x128xi32, #tpu.memory_space<hbm>>, %arg4: memref<81920x128xf32, #tpu.memory_space<hbm>>, %arg5: memref<20x128xi32, #tpu.memory_space<vmem>>, %arg6: memref<128x128xf32, #tpu.memory_space<vmem>>, %arg7: memref<128x128xf32, #tpu.memory_space<vmem>>, %arg8: memref<!tpu.dma_semaphore, #tpu.memory_space<semaphore_mem>>, %arg9: memref<!tpu.dma_semaphore, #tpu.memory_space<semaphore_mem>>) attributes {dimension_semantics = [#tpu.dimension_semantics<core_parallel>, #tpu.dimension_semantics<subcore_parallel>], iteration_bounds = array<i64: 2, 16>, scalar_prefetch = 0 : i64, scratch_operands = 5 : i64, tpu.core_type = #tpu.core_type<sc_vector_subcore>, window_params = [{transform_indices = #map}, {transform_indices = #map1}, {transform_indices = #map}]} {
    %mul3A = arith.constant 2 : i32
    %mul3A_0 = arith.muli %arg1, %mul3A : i32
    %add3A = arith.addi %mul3A_0, %arg0 : i32
    "tpu.region"() ({
      %run_scoped3A = tpu.sem_alloc : memref<!tpu.dma_semaphore, #tpu.memory_space<semaphore_mem>>
      %dma_start3A = arith.constant 0 : i32
      %dma_start3A_9 = arith.constant 0 : i32
      %dma_start3A_10 = tpu.memref_slice %arg3[%add3A, %dma_start3A, %dma_start3A_9] : memref<32x20x128xi32, #tpu.memory_space<hbm>> -> memref<1x20x128xi32, #tpu.memory_space<hbm>>
      %dma_start3A_11 = tpu.memref_squeeze %dma_start3A_10 : memref<1x20x128xi32, #tpu.memory_space<hbm>> -> memref<20x128xi32, #tpu.memory_space<hbm>>
      %dma_start3A_12 = arith.constant 0 : i32
      %dma_start3A_13 = arith.constant 0 : i32
      %dma_start3A_14 = tpu.memref_slice %arg3[%add3A, %dma_start3A_12, %dma_start3A_13] : memref<32x20x128xi32, #tpu.memory_space<hbm>> -> memref<1x20x128xi32, #tpu.memory_space<hbm>>
      %dma_start3A_15 = tpu.memref_squeeze %dma_start3A_14 : memref<1x20x128xi32, #tpu.memory_space<hbm>> -> memref<20x128xi32, #tpu.memory_space<hbm>>
      tpu.enqueue_dma source(%dma_start3A_15 : memref<20x128xi32, #tpu.memory_space<hbm>>) target(%arg5 : memref<20x128xi32, #tpu.memory_space<vmem>>) target_semaphore(%run_scoped3A : memref<!tpu.dma_semaphore, #tpu.memory_space<semaphore_mem>>)
      %dma_wait3A = arith.constant 0 : i32
      %dma_wait3A_16 = arith.constant 0 : i32
      %dma_wait3A_17 = tpu.memref_slice %arg3[%add3A, %dma_wait3A, %dma_wait3A_16] : memref<32x20x128xi32, #tpu.memory_space<hbm>> -> memref<1x20x128xi32, #tpu.memory_space<hbm>>
      %dma_wait3A_18 = tpu.memref_squeeze %dma_wait3A_17 : memref<1x20x128xi32, #tpu.memory_space<hbm>> -> memref<20x128xi32, #tpu.memory_space<hbm>>
      %dma_wait3A_19 = arith.constant 0 : i32
      %dma_wait3A_20 = arith.constant 0 : i32
      %dma_wait3A_21 = tpu.memref_slice %arg3[%add3A, %dma_wait3A_19, %dma_wait3A_20] : memref<32x20x128xi32, #tpu.memory_space<hbm>> -> memref<1x20x128xi32, #tpu.memory_space<hbm>>
      %dma_wait3A_22 = tpu.memref_squeeze %dma_wait3A_21 : memref<1x20x128xi32, #tpu.memory_space<hbm>> -> memref<20x128xi32, #tpu.memory_space<hbm>>
      tpu.wait_dma2 semaphore(%run_scoped3A : memref<!tpu.dma_semaphore, #tpu.memory_space<semaphore_mem>>) src(%dma_wait3A_22 : memref<20x128xi32, #tpu.memory_space<hbm>>) dst(%arg5 : memref<20x128xi32, #tpu.memory_space<vmem>>)
      tpu.yield
    }) : () -> ()
    %mul3A_1 = arith.constant 2560 : i32
    %mul3A_2 = arith.muli %add3A, %mul3A_1 : i32
    %scan3A = arith.constant 0 : i32
    %scan3A_3 = arith.constant 0 : i32
    %scan3A_4 = arith.constant 10 : i32
    %scan3A_5 = arith.addi %scan3A_3, %scan3A_4 : i32
    %scan3A_6 = arith.constant 1 : i32
    %scan3A_7 = scf.for %scan3A_9 = %scan3A_3 to %scan3A_5 step %scan3A_6 iter_args(%scan3A_10 = %scan3A) -> (i32)  : i32 {
      %mul3A_11 = arith.constant 2 : i32
      %mul3A_12 = arith.muli %mul3A_11, %scan3A_9 : i32
      %dma_start3A = arith.constant 0 : i32
      %dma_start3A_13 = tpu.memref_slice %arg5[%mul3A_12, %dma_start3A] : memref<20x128xi32, #tpu.memory_space<vmem>> -> memref<1x128xi32, #tpu.memory_space<vmem>>
      %dma_start3A_14 = tpu.memref_squeeze %dma_start3A_13 : memref<1x128xi32, #tpu.memory_space<vmem>> -> memref<128xi32, #tpu.memory_space<vmem>>
      %dma_start3A_15 = arith.constant 0 : i32
      %dma_start3A_16 = arith.constant 0 : i32
      %dma_start3A_17 = tpu.memref_slice %arg2[%dma_start3A_15, %dma_start3A_16] : memref<4096x128xf32, #tpu.memory_space<hbm>> -> memref<4096x128xf32, #tpu.memory_space<hbm>>
      tpu.enqueue_indirect_dma source(%dma_start3A_17 : memref<4096x128xf32, #tpu.memory_space<hbm>>) target(%arg6 : memref<128x128xf32, #tpu.memory_space<vmem>>) offsets(%dma_start3A_14 : memref<128xi32, #tpu.memory_space<vmem>>) semaphore(%arg8 : memref<!tpu.dma_semaphore, #tpu.memory_space<semaphore_mem>>)
      %mul3A_18 = arith.constant 2 : i32
      %mul3A_19 = arith.muli %mul3A_18, %scan3A_9 : i32
      %add3A_20 = arith.constant 1 : i32
      %add3A_21 = arith.addi %mul3A_19, %add3A_20 : i32
      %dma_start3A_22 = arith.constant 0 : i32
      %dma_start3A_23 = tpu.memref_slice %arg5[%add3A_21, %dma_start3A_22] : memref<20x128xi32, #tpu.memory_space<vmem>> -> memref<1x128xi32, #tpu.memory_space<vmem>>
      %dma_start3A_24 = tpu.memref_squeeze %dma_start3A_23 : memref<1x128xi32, #tpu.memory_space<vmem>> -> memref<128xi32, #tpu.memory_space<vmem>>
      %dma_start3A_25 = arith.constant 0 : i32
      %dma_start3A_26 = arith.constant 0 : i32
      %dma_start3A_27 = tpu.memref_slice %arg2[%dma_start3A_25, %dma_start3A_26] : memref<4096x128xf32, #tpu.memory_space<hbm>> -> memref<4096x128xf32, #tpu.memory_space<hbm>>
      tpu.enqueue_indirect_dma source(%dma_start3A_27 : memref<4096x128xf32, #tpu.memory_space<hbm>>) target(%arg7 : memref<128x128xf32, #tpu.memory_space<vmem>>) offsets(%dma_start3A_24 : memref<128xi32, #tpu.memory_space<vmem>>) semaphore(%arg9 : memref<!tpu.dma_semaphore, #tpu.memory_space<semaphore_mem>>)
      %mul3A_28 = arith.constant 2 : i32
      %mul3A_29 = arith.muli %mul3A_28, %scan3A_9 : i32
      %dma_wait3A = arith.constant 0 : i32
      %dma_wait3A_30 = tpu.memref_slice %arg5[%mul3A_12, %dma_wait3A] : memref<20x128xi32, #tpu.memory_space<vmem>> -> memref<1x128xi32, #tpu.memory_space<vmem>>
      %dma_wait3A_31 = tpu.memref_squeeze %dma_wait3A_30 : memref<1x128xi32, #tpu.memory_space<vmem>> -> memref<128xi32, #tpu.memory_space<vmem>>
      %dma_wait3A_32 = arith.constant 0 : i32
      %dma_wait3A_33 = arith.constant 0 : i32
      %dma_wait3A_34 = tpu.memref_slice %arg2[%dma_wait3A_32, %dma_wait3A_33] : memref<4096x128xf32, #tpu.memory_space<hbm>> -> memref<4096x128xf32, #tpu.memory_space<hbm>>
      tpu.wait_indirect_dma semaphore(%arg8 : memref<!tpu.dma_semaphore, #tpu.memory_space<semaphore_mem>>) src(%dma_wait3A_34 : memref<4096x128xf32, #tpu.memory_space<hbm>>) dst(%arg6 : memref<128x128xf32, #tpu.memory_space<vmem>>)
      %mul3A_35 = arith.constant 128 : i32
      %mul3A_36 = arith.muli %mul3A_29, %mul3A_35 : i32
      %add3A_37 = arith.addi %mul3A_2, %mul3A_36 : i32
      %multiple_of3A = tpu.assume_multiple %add3A_37, 128 : i32
      "tpu.region"() ({
        %run_scoped3A = tpu.sem_alloc : memref<!tpu.dma_semaphore, #tpu.memory_space<semaphore_mem>>
        %dma_start3A_53 = arith.constant 0 : i32
        %dma_start3A_54 = tpu.memref_slice %arg4[%multiple_of3A, %dma_start3A_53] : memref<81920x128xf32, #tpu.memory_space<hbm>> -> memref<128x128xf32, #tpu.memory_space<hbm>>
        %dma_start3A_55 = arith.constant 0 : i32
        %dma_start3A_56 = tpu.memref_slice %arg4[%multiple_of3A, %dma_start3A_55] : memref<81920x128xf32, #tpu.memory_space<hbm>> -> memref<128x128xf32, #tpu.memory_space<hbm>>
        tpu.enqueue_dma source(%arg6 : memref<128x128xf32, #tpu.memory_space<vmem>>) target(%dma_start3A_56 : memref<128x128xf32, #tpu.memory_space<hbm>>) target_semaphore(%run_scoped3A : memref<!tpu.dma_semaphore, #tpu.memory_space<semaphore_mem>>)
        %dma_wait3A_57 = arith.constant 0 : i32
        %dma_wait3A_58 = tpu.memref_slice %arg4[%multiple_of3A, %dma_wait3A_57] : memref<81920x128xf32, #tpu.memory_space<hbm>> -> memref<128x128xf32, #tpu.memory_space<hbm>>
        %dma_wait3A_59 = arith.constant 0 : i32
        %dma_wait3A_60 = tpu.memref_slice %arg4[%multiple_of3A, %dma_wait3A_59] : memref<81920x128xf32, #tpu.memory_space<hbm>> -> memref<128x128xf32, #tpu.memory_space<hbm>>
        tpu.wait_dma2 semaphore(%run_scoped3A : memref<!tpu.dma_semaphore, #tpu.memory_space<semaphore_mem>>) src(%arg6 : memref<128x128xf32, #tpu.memory_space<vmem>>) dst(%dma_wait3A_60 : memref<128x128xf32, #tpu.memory_space<hbm>>)
        tpu.yield
      }) : () -> ()
      %mul3A_38 = arith.constant 2 : i32
      %mul3A_39 = arith.muli %mul3A_38, %scan3A_9 : i32
      %add3A_40 = arith.constant 1 : i32
      %add3A_41 = arith.addi %mul3A_39, %add3A_40 : i32
      %dma_wait3A_42 = arith.constant 0 : i32
      %dma_wait3A_43 = tpu.memref_slice %arg5[%add3A_21, %dma_wait3A_42] : memref<20x128xi32, #tpu.memory_space<vmem>> -> memref<1x128xi32, #tpu.memory_space<vmem>>
      %dma_wait3A_44 = tpu.memref_squeeze %dma_wait3A_43 : memref<1x128xi32, #tpu.memory_space<vmem>> -> memref<128xi32, #tpu.memory_space<vmem>>
      %dma_wait3A_45 = arith.constant 0 : i32
      %dma_wait3A_46 = arith.constant 0 : i32
      %dma_wait3A_47 = tpu.memref_slice %arg2[%dma_wait3A_45, %dma_wait3A_46] : memref<4096x128xf32, #tpu.memory_space<hbm>> -> memref<4096x128xf32, #tpu.memory_space<hbm>>
      tpu.wait_indirect_dma semaphore(%arg9 : memref<!tpu.dma_semaphore, #tpu.memory_space<semaphore_mem>>) src(%dma_wait3A_47 : memref<4096x128xf32, #tpu.memory_space<hbm>>) dst(%arg7 : memref<128x128xf32, #tpu.memory_space<vmem>>)
      %mul3A_48 = arith.constant 128 : i32
      %mul3A_49 = arith.muli %add3A_41, %mul3A_48 : i32
      %add3A_50 = arith.addi %mul3A_2, %mul3A_49 : i32
      %multiple_of3A_51 = tpu.assume_multiple %add3A_50, 128 : i32
      "tpu.region"() ({
        %run_scoped3A = tpu.sem_alloc : memref<!tpu.dma_semaphore, #tpu.memory_space<semaphore_mem>>
        %dma_start3A_53 = arith.constant 0 : i32
        %dma_start3A_54 = tpu.memref_slice %arg4[%multiple_of3A_51, %dma_start3A_53] : memref<81920x128xf32, #tpu.memory_space<hbm>> -> memref<128x128xf32, #tpu.memory_space<hbm>>
        %dma_start3A_55 = arith.constant 0 : i32
        %dma_start3A_56 = tpu.memref_slice %arg4[%multiple_of3A_51, %dma_start3A_55] : memref<81920x128xf32, #tpu.memory_space<hbm>> -> memref<128x128xf32, #tpu.memory_space<hbm>>
        tpu.enqueue_dma source(%arg7 : memref<128x128xf32, #tpu.memory_space<vmem>>) target(%dma_start3A_56 : memref<128x128xf32, #tpu.memory_space<hbm>>) target_semaphore(%run_scoped3A : memref<!tpu.dma_semaphore, #tpu.memory_space<semaphore_mem>>)
        %dma_wait3A_57 = arith.constant 0 : i32
        %dma_wait3A_58 = tpu.memref_slice %arg4[%multiple_of3A_51, %dma_wait3A_57] : memref<81920x128xf32, #tpu.memory_space<hbm>> -> memref<128x128xf32, #tpu.memory_space<hbm>>
        %dma_wait3A_59 = arith.constant 0 : i32
        %dma_wait3A_60 = tpu.memref_slice %arg4[%multiple_of3A_51, %dma_wait3A_59] : memref<81920x128xf32, #tpu.memory_space<hbm>> -> memref<128x128xf32, #tpu.memory_space<hbm>>
        tpu.wait_dma2 semaphore(%run_scoped3A : memref<!tpu.dma_semaphore, #tpu.memory_space<semaphore_mem>>) src(%arg7 : memref<128x128xf32, #tpu.memory_space<vmem>>) dst(%dma_wait3A_60 : memref<128x128xf32, #tpu.memory_space<hbm>>)
        tpu.yield
      }) : () -> ()
      %scan3A_52 = arith.constant 0 : i32
      scf.yield %scan3A_52 : i32
    }
    %scan3A_8 = arith.constant 10 : i32
    return
  }
}

#map = affine_map<(d0, d1) -> (0, 0)>
#map1 = affine_map<(d0, d1) -> (0, 0, 0)>
module attributes {stable_mosaic.version = 14 : i64} {
  func.func @_sc_gather_body(%arg0: i32, %arg1: i32, %arg2: memref<4096x128xf32, #tpu.memory_space<hbm>>, %arg3: memref<32x20x128xi32, #tpu.memory_space<hbm>>, %arg4: memref<81920x128xf32, #tpu.memory_space<hbm>>, %arg5: memref<20x128xi32, #tpu.memory_space<vmem>>, %arg6: memref<128x128xf32, #tpu.memory_space<vmem>>, %arg7: memref<128x128xf32, #tpu.memory_space<vmem>>, %arg8: memref<!tpu.dma_semaphore, #tpu.memory_space<semaphore_mem>>, %arg9: memref<!tpu.dma_semaphore, #tpu.memory_space<semaphore_mem>>) attributes {dimension_semantics = [#tpu.dimension_semantics<core_parallel>, #tpu.dimension_semantics<subcore_parallel>], iteration_bounds = array<i64: 2, 16>, scalar_prefetch = 0 : i64, scratch_operands = 5 : i64, tpu.core_type = #tpu.core_type<sc_vector_subcore>, window_params = [{transform_indices = #map}, {transform_indices = #map1}, {transform_indices = #map}]} {
    %mul3A = arith.constant 2 : i32
    %mul3A_0 = arith.muli %arg1, %mul3A : i32
    %add3A = arith.addi %mul3A_0, %arg0 : i32
    "tpu.region"() ({
      %run_scoped3A = tpu.sem_alloc : memref<!tpu.dma_semaphore, #tpu.memory_space<semaphore_mem>>
      %dma_start3A = arith.constant 0 : i32
      %dma_start3A_9 = arith.constant 0 : i32
      %dma_start3A_10 = tpu.memref_slice %arg3[%add3A, %dma_start3A, %dma_start3A_9] : memref<32x20x128xi32, #tpu.memory_space<hbm>> -> memref<1x20x128xi32, #tpu.memory_space<hbm>>
      %dma_start3A_11 = tpu.memref_squeeze %dma_start3A_10 : memref<1x20x128xi32, #tpu.memory_space<hbm>> -> memref<20x128xi32, #tpu.memory_space<hbm>>
      %dma_start3A_12 = arith.constant 0 : i32
      %dma_start3A_13 = arith.constant 0 : i32
      %dma_start3A_14 = tpu.memref_slice %arg3[%add3A, %dma_start3A_12, %dma_start3A_13] : memref<32x20x128xi32, #tpu.memory_space<hbm>> -> memref<1x20x128xi32, #tpu.memory_space<hbm>>
      %dma_start3A_15 = tpu.memref_squeeze %dma_start3A_14 : memref<1x20x128xi32, #tpu.memory_space<hbm>> -> memref<20x128xi32, #tpu.memory_space<hbm>>
      tpu.enqueue_dma source(%dma_start3A_15 : memref<20x128xi32, #tpu.memory_space<hbm>>) target(%arg5 : memref<20x128xi32, #tpu.memory_space<vmem>>) target_semaphore(%run_scoped3A : memref<!tpu.dma_semaphore, #tpu.memory_space<semaphore_mem>>)
      %dma_wait3A = arith.constant 0 : i32
      %dma_wait3A_16 = arith.constant 0 : i32
      %dma_wait3A_17 = tpu.memref_slice %arg3[%add3A, %dma_wait3A, %dma_wait3A_16] : memref<32x20x128xi32, #tpu.memory_space<hbm>> -> memref<1x20x128xi32, #tpu.memory_space<hbm>>
      %dma_wait3A_18 = tpu.memref_squeeze %dma_wait3A_17 : memref<1x20x128xi32, #tpu.memory_space<hbm>> -> memref<20x128xi32, #tpu.memory_space<hbm>>
      %dma_wait3A_19 = arith.constant 0 : i32
      %dma_wait3A_20 = arith.constant 0 : i32
      %dma_wait3A_21 = tpu.memref_slice %arg3[%add3A, %dma_wait3A_19, %dma_wait3A_20] : memref<32x20x128xi32, #tpu.memory_space<hbm>> -> memref<1x20x128xi32, #tpu.memory_space<hbm>>
      %dma_wait3A_22 = tpu.memref_squeeze %dma_wait3A_21 : memref<1x20x128xi32, #tpu.memory_space<hbm>> -> memref<20x128xi32, #tpu.memory_space<hbm>>
      tpu.wait_dma2 semaphore(%run_scoped3A : memref<!tpu.dma_semaphore, #tpu.memory_space<semaphore_mem>>) src(%dma_wait3A_22 : memref<20x128xi32, #tpu.memory_space<hbm>>) dst(%arg5 : memref<20x128xi32, #tpu.memory_space<vmem>>)
      tpu.yield
    }) : () -> ()
    %mul3A_1 = arith.constant 2560 : i32
    %mul3A_2 = arith.muli %add3A, %mul3A_1 : i32
    %scan3A = arith.constant 0 : i32
    %scan3A_3 = arith.constant 0 : i32
    %scan3A_4 = arith.constant 10 : i32
    %scan3A_5 = arith.addi %scan3A_3, %scan3A_4 : i32
    %scan3A_6 = arith.constant 1 : i32
    %scan3A_7 = scf.for %scan3A_9 = %scan3A_3 to %scan3A_5 step %scan3A_6 iter_args(%scan3A_10 = %scan3A) -> (i32)  : i32 {
      %mul3A_11 = arith.constant 2 : i32
      %mul3A_12 = arith.muli %mul3A_11, %scan3A_9 : i32
      %dma_start3A = arith.constant 0 : i32
      %dma_start3A_13 = tpu.memref_slice %arg5[%mul3A_12, %dma_start3A] : memref<20x128xi32, #tpu.memory_space<vmem>> -> memref<1x128xi32, #tpu.memory_space<vmem>>
      %dma_start3A_14 = tpu.memref_squeeze %dma_start3A_13 : memref<1x128xi32, #tpu.memory_space<vmem>> -> memref<128xi32, #tpu.memory_space<vmem>>
      %dma_start3A_15 = arith.constant 0 : i32
      %dma_start3A_16 = arith.constant 0 : i32
      %dma_start3A_17 = tpu.memref_slice %arg2[%dma_start3A_15, %dma_start3A_16] : memref<4096x128xf32, #tpu.memory_space<hbm>> -> memref<4096x128xf32, #tpu.memory_space<hbm>>
      tpu.enqueue_indirect_dma source(%dma_start3A_17 : memref<4096x128xf32, #tpu.memory_space<hbm>>) target(%arg6 : memref<128x128xf32, #tpu.memory_space<vmem>>) offsets(%dma_start3A_14 : memref<128xi32, #tpu.memory_space<vmem>>) semaphore(%arg8 : memref<!tpu.dma_semaphore, #tpu.memory_space<semaphore_mem>>)
      %mul3A_18 = arith.constant 2 : i32
      %mul3A_19 = arith.muli %mul3A_18, %scan3A_9 : i32
      %add3A_20 = arith.constant 1 : i32
      %add3A_21 = arith.addi %mul3A_19, %add3A_20 : i32
      %dma_start3A_22 = arith.constant 0 : i32
      %dma_start3A_23 = tpu.memref_slice %arg5[%add3A_21, %dma_start3A_22] : memref<20x128xi32, #tpu.memory_space<vmem>> -> memref<1x128xi32, #tpu.memory_space<vmem>>
      %dma_start3A_24 = tpu.memref_squeeze %dma_start3A_23 : memref<1x128xi32, #tpu.memory_space<vmem>> -> memref<128xi32, #tpu.memory_space<vmem>>
      %dma_start3A_25 = arith.constant 0 : i32
      %dma_start3A_26 = arith.constant 0 : i32
      %dma_start3A_27 = tpu.memref_slice %arg2[%dma_start3A_25, %dma_start3A_26] : memref<4096x128xf32, #tpu.memory_space<hbm>> -> memref<4096x128xf32, #tpu.memory_space<hbm>>
      tpu.enqueue_indirect_dma source(%dma_start3A_27 : memref<4096x128xf32, #tpu.memory_space<hbm>>) target(%arg7 : memref<128x128xf32, #tpu.memory_space<vmem>>) offsets(%dma_start3A_24 : memref<128xi32, #tpu.memory_space<vmem>>) semaphore(%arg9 : memref<!tpu.dma_semaphore, #tpu.memory_space<semaphore_mem>>)
      %mul3A_28 = arith.constant 2 : i32
      %mul3A_29 = arith.muli %mul3A_28, %scan3A_9 : i32
      %dma_wait3A = arith.constant 0 : i32
      %dma_wait3A_30 = tpu.memref_slice %arg5[%mul3A_12, %dma_wait3A] : memref<20x128xi32, #tpu.memory_space<vmem>> -> memref<1x128xi32, #tpu.memory_space<vmem>>
      %dma_wait3A_31 = tpu.memref_squeeze %dma_wait3A_30 : memref<1x128xi32, #tpu.memory_space<vmem>> -> memref<128xi32, #tpu.memory_space<vmem>>
      %dma_wait3A_32 = arith.constant 0 : i32
      %dma_wait3A_33 = arith.constant 0 : i32
      %dma_wait3A_34 = tpu.memref_slice %arg2[%dma_wait3A_32, %dma_wait3A_33] : memref<4096x128xf32, #tpu.memory_space<hbm>> -> memref<4096x128xf32, #tpu.memory_space<hbm>>
      tpu.wait_indirect_dma semaphore(%arg8 : memref<!tpu.dma_semaphore, #tpu.memory_space<semaphore_mem>>) src(%dma_wait3A_34 : memref<4096x128xf32, #tpu.memory_space<hbm>>) dst(%arg6 : memref<128x128xf32, #tpu.memory_space<vmem>>)
      %mul3A_35 = arith.constant 128 : i32
      %mul3A_36 = arith.muli %mul3A_29, %mul3A_35 : i32
      %add3A_37 = arith.addi %mul3A_2, %mul3A_36 : i32
      %multiple_of3A = tpu.assume_multiple %add3A_37, 128 : i32
      "tpu.region"() ({
        %run_scoped3A = tpu.sem_alloc : memref<!tpu.dma_semaphore, #tpu.memory_space<semaphore_mem>>
        %dma_start3A_53 = arith.constant 0 : i32
        %dma_start3A_54 = tpu.memref_slice %arg4[%multiple_of3A, %dma_start3A_53] : memref<81920x128xf32, #tpu.memory_space<hbm>> -> memref<128x128xf32, #tpu.memory_space<hbm>>
        %dma_start3A_55 = arith.constant 0 : i32
        %dma_start3A_56 = tpu.memref_slice %arg4[%multiple_of3A, %dma_start3A_55] : memref<81920x128xf32, #tpu.memory_space<hbm>> -> memref<128x128xf32, #tpu.memory_space<hbm>>
        tpu.enqueue_dma source(%arg6 : memref<128x128xf32, #tpu.memory_space<vmem>>) target(%dma_start3A_56 : memref<128x128xf32, #tpu.memory_space<hbm>>) target_semaphore(%run_scoped3A : memref<!tpu.dma_semaphore, #tpu.memory_space<semaphore_mem>>)
        %dma_wait3A_57 = arith.constant 0 : i32
        %dma_wait3A_58 = tpu.memref_slice %arg4[%multiple_of3A, %dma_wait3A_57] : memref<81920x128xf32, #tpu.memory_space<hbm>> -> memref<128x128xf32, #tpu.memory_space<hbm>>
        %dma_wait3A_59 = arith.constant 0 : i32
        %dma_wait3A_60 = tpu.memref_slice %arg4[%multiple_of3A, %dma_wait3A_59] : memref<81920x128xf32, #tpu.memory_space<hbm>> -> memref<128x128xf32, #tpu.memory_space<hbm>>
        tpu.wait_dma2 semaphore(%run_scoped3A : memref<!tpu.dma_semaphore, #tpu.memory_space<semaphore_mem>>) src(%arg6 : memref<128x128xf32, #tpu.memory_space<vmem>>) dst(%dma_wait3A_60 : memref<128x128xf32, #tpu.memory_space<hbm>>)
        tpu.yield
      }) : () -> ()
      %mul3A_38 = arith.constant 2 : i32
      %mul3A_39 = arith.muli %mul3A_38, %scan3A_9 : i32
      %add3A_40 = arith.constant 1 : i32
      %add3A_41 = arith.addi %mul3A_39, %add3A_40 : i32
      %dma_wait3A_42 = arith.constant 0 : i32
      %dma_wait3A_43 = tpu.memref_slice %arg5[%add3A_21, %dma_wait3A_42] : memref<20x128xi32, #tpu.memory_space<vmem>> -> memref<1x128xi32, #tpu.memory_space<vmem>>
      %dma_wait3A_44 = tpu.memref_squeeze %dma_wait3A_43 : memref<1x128xi32, #tpu.memory_space<vmem>> -> memref<128xi32, #tpu.memory_space<vmem>>
      %dma_wait3A_45 = arith.constant 0 : i32
      %dma_wait3A_46 = arith.constant 0 : i32
      %dma_wait3A_47 = tpu.memref_slice %arg2[%dma_wait3A_45, %dma_wait3A_46] : memref<4096x128xf32, #tpu.memory_space<hbm>> -> memref<4096x128xf32, #tpu.memory_space<hbm>>
      tpu.wait_indirect_dma semaphore(%arg9 : memref<!tpu.dma_semaphore, #tpu.memory_space<semaphore_mem>>) src(%dma_wait3A_47 : memref<4096x128xf32, #tpu.memory_space<hbm>>) dst(%arg7 : memref<128x128xf32, #tpu.memory_space<vmem>>)
      %mul3A_48 = arith.constant 128 : i32
      %mul3A_49 = arith.muli %add3A_41, %mul3A_48 : i32
      %add3A_50 = arith.addi %mul3A_2, %mul3A_49 : i32
      %multiple_of3A_51 = tpu.assume_multiple %add3A_50, 128 : i32
      "tpu.region"() ({
        %run_scoped3A = tpu.sem_alloc : memref<!tpu.dma_semaphore, #tpu.memory_space<semaphore_mem>>
        %dma_start3A_53 = arith.constant 0 : i32
        %dma_start3A_54 = tpu.memref_slice %arg4[%multiple_of3A_51, %dma_start3A_53] : memref<81920x128xf32, #tpu.memory_space<hbm>> -> memref<128x128xf32, #tpu.memory_space<hbm>>
        %dma_start3A_55 = arith.constant 0 : i32
        %dma_start3A_56 = tpu.memref_slice %arg4[%multiple_of3A_51, %dma_start3A_55] : memref<81920x128xf32, #tpu.memory_space<hbm>> -> memref<128x128xf32, #tpu.memory_space<hbm>>
        tpu.enqueue_dma source(%arg7 : memref<128x128xf32, #tpu.memory_space<vmem>>) target(%dma_start3A_56 : memref<128x128xf32, #tpu.memory_space<hbm>>) target_semaphore(%run_scoped3A : memref<!tpu.dma_semaphore, #tpu.memory_space<semaphore_mem>>)
        %dma_wait3A_57 = arith.constant 0 : i32
        %dma_wait3A_58 = tpu.memref_slice %arg4[%multiple_of3A_51, %dma_wait3A_57] : memref<81920x128xf32, #tpu.memory_space<hbm>> -> memref<128x128xf32, #tpu.memory_space<hbm>>
        %dma_wait3A_59 = arith.constant 0 : i32
        %dma_wait3A_60 = tpu.memref_slice %arg4[%multiple_of3A_51, %dma_wait3A_59] : memref<81920x128xf32, #tpu.memory_space<hbm>> -> memref<128x128xf32, #tpu.memory_space<hbm>>
        tpu.wait_dma2 semaphore(%run_scoped3A : memref<!tpu.dma_semaphore, #tpu.memory_space<semaphore_mem>>) src(%arg7 : memref<128x128xf32, #tpu.memory_space<vmem>>) dst(%dma_wait3A_60 : memref<128x128xf32, #tpu.memory_space<hbm>>)
        tpu.yield
      }) : () -> ()
      %scan3A_52 = arith.constant 0 : i32
      scf.yield %scan3A_52 : i32
    }
    %scan3A_8 = arith.constant 10 : i32
    return
  }
}

#map = affine_map<(d0, d1) -> (0, 0)>
#map1 = affine_map<(d0, d1) -> (0, 0, 0)>
module attributes {stable_mosaic.version = 14 : i64} {
  func.func @_sc_gather_body(%arg0: i32, %arg1: i32, %arg2: memref<4096x128xf32, #tpu.memory_space<hbm>>, %arg3: memref<32x20x128xi32, #tpu.memory_space<hbm>>, %arg4: memref<81920x128xf32, #tpu.memory_space<hbm>>, %arg5: memref<20x128xi32, #tpu.memory_space<vmem>>, %arg6: memref<128x128xf32, #tpu.memory_space<vmem>>, %arg7: memref<128x128xf32, #tpu.memory_space<vmem>>, %arg8: memref<!tpu.dma_semaphore, #tpu.memory_space<semaphore_mem>>, %arg9: memref<!tpu.dma_semaphore, #tpu.memory_space<semaphore_mem>>) attributes {dimension_semantics = [#tpu.dimension_semantics<core_parallel>, #tpu.dimension_semantics<subcore_parallel>], iteration_bounds = array<i64: 2, 16>, scalar_prefetch = 0 : i64, scratch_operands = 5 : i64, tpu.core_type = #tpu.core_type<sc_vector_subcore>, window_params = [{transform_indices = #map}, {transform_indices = #map1}, {transform_indices = #map}]} {
    %mul3A = arith.constant 2 : i32
    %mul3A_0 = arith.muli %arg1, %mul3A : i32
    %add3A = arith.addi %mul3A_0, %arg0 : i32
    "tpu.region"() ({
      %run_scoped3A = tpu.sem_alloc : memref<!tpu.dma_semaphore, #tpu.memory_space<semaphore_mem>>
      %dma_start3A = arith.constant 0 : i32
      %dma_start3A_9 = arith.constant 0 : i32
      %dma_start3A_10 = tpu.memref_slice %arg3[%add3A, %dma_start3A, %dma_start3A_9] : memref<32x20x128xi32, #tpu.memory_space<hbm>> -> memref<1x20x128xi32, #tpu.memory_space<hbm>>
      %dma_start3A_11 = tpu.memref_squeeze %dma_start3A_10 : memref<1x20x128xi32, #tpu.memory_space<hbm>> -> memref<20x128xi32, #tpu.memory_space<hbm>>
      %dma_start3A_12 = arith.constant 0 : i32
      %dma_start3A_13 = arith.constant 0 : i32
      %dma_start3A_14 = tpu.memref_slice %arg3[%add3A, %dma_start3A_12, %dma_start3A_13] : memref<32x20x128xi32, #tpu.memory_space<hbm>> -> memref<1x20x128xi32, #tpu.memory_space<hbm>>
      %dma_start3A_15 = tpu.memref_squeeze %dma_start3A_14 : memref<1x20x128xi32, #tpu.memory_space<hbm>> -> memref<20x128xi32, #tpu.memory_space<hbm>>
      tpu.enqueue_dma source(%dma_start3A_15 : memref<20x128xi32, #tpu.memory_space<hbm>>) target(%arg5 : memref<20x128xi32, #tpu.memory_space<vmem>>) target_semaphore(%run_scoped3A : memref<!tpu.dma_semaphore, #tpu.memory_space<semaphore_mem>>)
      %dma_wait3A = arith.constant 0 : i32
      %dma_wait3A_16 = arith.constant 0 : i32
      %dma_wait3A_17 = tpu.memref_slice %arg3[%add3A, %dma_wait3A, %dma_wait3A_16] : memref<32x20x128xi32, #tpu.memory_space<hbm>> -> memref<1x20x128xi32, #tpu.memory_space<hbm>>
      %dma_wait3A_18 = tpu.memref_squeeze %dma_wait3A_17 : memref<1x20x128xi32, #tpu.memory_space<hbm>> -> memref<20x128xi32, #tpu.memory_space<hbm>>
      %dma_wait3A_19 = arith.constant 0 : i32
      %dma_wait3A_20 = arith.constant 0 : i32
      %dma_wait3A_21 = tpu.memref_slice %arg3[%add3A, %dma_wait3A_19, %dma_wait3A_20] : memref<32x20x128xi32, #tpu.memory_space<hbm>> -> memref<1x20x128xi32, #tpu.memory_space<hbm>>
      %dma_wait3A_22 = tpu.memref_squeeze %dma_wait3A_21 : memref<1x20x128xi32, #tpu.memory_space<hbm>> -> memref<20x128xi32, #tpu.memory_space<hbm>>
      tpu.wait_dma2 semaphore(%run_scoped3A : memref<!tpu.dma_semaphore, #tpu.memory_space<semaphore_mem>>) src(%dma_wait3A_22 : memref<20x128xi32, #tpu.memory_space<hbm>>) dst(%arg5 : memref<20x128xi32, #tpu.memory_space<vmem>>)
      tpu.yield
    }) : () -> ()
    %mul3A_1 = arith.constant 2560 : i32
    %mul3A_2 = arith.muli %add3A, %mul3A_1 : i32
    %scan3A = arith.constant 0 : i32
    %scan3A_3 = arith.constant 0 : i32
    %scan3A_4 = arith.constant 10 : i32
    %scan3A_5 = arith.addi %scan3A_3, %scan3A_4 : i32
    %scan3A_6 = arith.constant 1 : i32
    %scan3A_7 = scf.for %scan3A_9 = %scan3A_3 to %scan3A_5 step %scan3A_6 iter_args(%scan3A_10 = %scan3A) -> (i32)  : i32 {
      %mul3A_11 = arith.constant 2 : i32
      %mul3A_12 = arith.muli %mul3A_11, %scan3A_9 : i32
      %dma_start3A = arith.constant 0 : i32
      %dma_start3A_13 = tpu.memref_slice %arg5[%mul3A_12, %dma_start3A] : memref<20x128xi32, #tpu.memory_space<vmem>> -> memref<1x128xi32, #tpu.memory_space<vmem>>
      %dma_start3A_14 = tpu.memref_squeeze %dma_start3A_13 : memref<1x128xi32, #tpu.memory_space<vmem>> -> memref<128xi32, #tpu.memory_space<vmem>>
      %dma_start3A_15 = arith.constant 0 : i32
      %dma_start3A_16 = arith.constant 0 : i32
      %dma_start3A_17 = tpu.memref_slice %arg2[%dma_start3A_15, %dma_start3A_16] : memref<4096x128xf32, #tpu.memory_space<hbm>> -> memref<4096x128xf32, #tpu.memory_space<hbm>>
      tpu.enqueue_indirect_dma source(%dma_start3A_17 : memref<4096x128xf32, #tpu.memory_space<hbm>>) target(%arg6 : memref<128x128xf32, #tpu.memory_space<vmem>>) offsets(%dma_start3A_14 : memref<128xi32, #tpu.memory_space<vmem>>) semaphore(%arg8 : memref<!tpu.dma_semaphore, #tpu.memory_space<semaphore_mem>>)
      %mul3A_18 = arith.constant 2 : i32
      %mul3A_19 = arith.muli %mul3A_18, %scan3A_9 : i32
      %add3A_20 = arith.constant 1 : i32
      %add3A_21 = arith.addi %mul3A_19, %add3A_20 : i32
      %dma_start3A_22 = arith.constant 0 : i32
      %dma_start3A_23 = tpu.memref_slice %arg5[%add3A_21, %dma_start3A_22] : memref<20x128xi32, #tpu.memory_space<vmem>> -> memref<1x128xi32, #tpu.memory_space<vmem>>
      %dma_start3A_24 = tpu.memref_squeeze %dma_start3A_23 : memref<1x128xi32, #tpu.memory_space<vmem>> -> memref<128xi32, #tpu.memory_space<vmem>>
      %dma_start3A_25 = arith.constant 0 : i32
      %dma_start3A_26 = arith.constant 0 : i32
      %dma_start3A_27 = tpu.memref_slice %arg2[%dma_start3A_25, %dma_start3A_26] : memref<4096x128xf32, #tpu.memory_space<hbm>> -> memref<4096x128xf32, #tpu.memory_space<hbm>>
      tpu.enqueue_indirect_dma source(%dma_start3A_27 : memref<4096x128xf32, #tpu.memory_space<hbm>>) target(%arg7 : memref<128x128xf32, #tpu.memory_space<vmem>>) offsets(%dma_start3A_24 : memref<128xi32, #tpu.memory_space<vmem>>) semaphore(%arg9 : memref<!tpu.dma_semaphore, #tpu.memory_space<semaphore_mem>>)
      %mul3A_28 = arith.constant 2 : i32
      %mul3A_29 = arith.muli %mul3A_28, %scan3A_9 : i32
      %dma_wait3A = arith.constant 0 : i32
      %dma_wait3A_30 = tpu.memref_slice %arg5[%mul3A_12, %dma_wait3A] : memref<20x128xi32, #tpu.memory_space<vmem>> -> memref<1x128xi32, #tpu.memory_space<vmem>>
      %dma_wait3A_31 = tpu.memref_squeeze %dma_wait3A_30 : memref<1x128xi32, #tpu.memory_space<vmem>> -> memref<128xi32, #tpu.memory_space<vmem>>
      %dma_wait3A_32 = arith.constant 0 : i32
      %dma_wait3A_33 = arith.constant 0 : i32
      %dma_wait3A_34 = tpu.memref_slice %arg2[%dma_wait3A_32, %dma_wait3A_33] : memref<4096x128xf32, #tpu.memory_space<hbm>> -> memref<4096x128xf32, #tpu.memory_space<hbm>>
      tpu.wait_indirect_dma semaphore(%arg8 : memref<!tpu.dma_semaphore, #tpu.memory_space<semaphore_mem>>) src(%dma_wait3A_34 : memref<4096x128xf32, #tpu.memory_space<hbm>>) dst(%arg6 : memref<128x128xf32, #tpu.memory_space<vmem>>)
      %mul3A_35 = arith.constant 128 : i32
      %mul3A_36 = arith.muli %mul3A_29, %mul3A_35 : i32
      %add3A_37 = arith.addi %mul3A_2, %mul3A_36 : i32
      %multiple_of3A = tpu.assume_multiple %add3A_37, 128 : i32
      "tpu.region"() ({
        %run_scoped3A = tpu.sem_alloc : memref<!tpu.dma_semaphore, #tpu.memory_space<semaphore_mem>>
        %dma_start3A_53 = arith.constant 0 : i32
        %dma_start3A_54 = tpu.memref_slice %arg4[%multiple_of3A, %dma_start3A_53] : memref<81920x128xf32, #tpu.memory_space<hbm>> -> memref<128x128xf32, #tpu.memory_space<hbm>>
        %dma_start3A_55 = arith.constant 0 : i32
        %dma_start3A_56 = tpu.memref_slice %arg4[%multiple_of3A, %dma_start3A_55] : memref<81920x128xf32, #tpu.memory_space<hbm>> -> memref<128x128xf32, #tpu.memory_space<hbm>>
        tpu.enqueue_dma source(%arg6 : memref<128x128xf32, #tpu.memory_space<vmem>>) target(%dma_start3A_56 : memref<128x128xf32, #tpu.memory_space<hbm>>) target_semaphore(%run_scoped3A : memref<!tpu.dma_semaphore, #tpu.memory_space<semaphore_mem>>)
        %dma_wait3A_57 = arith.constant 0 : i32
        %dma_wait3A_58 = tpu.memref_slice %arg4[%multiple_of3A, %dma_wait3A_57] : memref<81920x128xf32, #tpu.memory_space<hbm>> -> memref<128x128xf32, #tpu.memory_space<hbm>>
        %dma_wait3A_59 = arith.constant 0 : i32
        %dma_wait3A_60 = tpu.memref_slice %arg4[%multiple_of3A, %dma_wait3A_59] : memref<81920x128xf32, #tpu.memory_space<hbm>> -> memref<128x128xf32, #tpu.memory_space<hbm>>
        tpu.wait_dma2 semaphore(%run_scoped3A : memref<!tpu.dma_semaphore, #tpu.memory_space<semaphore_mem>>) src(%arg6 : memref<128x128xf32, #tpu.memory_space<vmem>>) dst(%dma_wait3A_60 : memref<128x128xf32, #tpu.memory_space<hbm>>)
        tpu.yield
      }) : () -> ()
      %mul3A_38 = arith.constant 2 : i32
      %mul3A_39 = arith.muli %mul3A_38, %scan3A_9 : i32
      %add3A_40 = arith.constant 1 : i32
      %add3A_41 = arith.addi %mul3A_39, %add3A_40 : i32
      %dma_wait3A_42 = arith.constant 0 : i32
      %dma_wait3A_43 = tpu.memref_slice %arg5[%add3A_21, %dma_wait3A_42] : memref<20x128xi32, #tpu.memory_space<vmem>> -> memref<1x128xi32, #tpu.memory_space<vmem>>
      %dma_wait3A_44 = tpu.memref_squeeze %dma_wait3A_43 : memref<1x128xi32, #tpu.memory_space<vmem>> -> memref<128xi32, #tpu.memory_space<vmem>>
      %dma_wait3A_45 = arith.constant 0 : i32
      %dma_wait3A_46 = arith.constant 0 : i32
      %dma_wait3A_47 = tpu.memref_slice %arg2[%dma_wait3A_45, %dma_wait3A_46] : memref<4096x128xf32, #tpu.memory_space<hbm>> -> memref<4096x128xf32, #tpu.memory_space<hbm>>
      tpu.wait_indirect_dma semaphore(%arg9 : memref<!tpu.dma_semaphore, #tpu.memory_space<semaphore_mem>>) src(%dma_wait3A_47 : memref<4096x128xf32, #tpu.memory_space<hbm>>) dst(%arg7 : memref<128x128xf32, #tpu.memory_space<vmem>>)
      %mul3A_48 = arith.constant 128 : i32
      %mul3A_49 = arith.muli %add3A_41, %mul3A_48 : i32
      %add3A_50 = arith.addi %mul3A_2, %mul3A_49 : i32
      %multiple_of3A_51 = tpu.assume_multiple %add3A_50, 128 : i32
      "tpu.region"() ({
        %run_scoped3A = tpu.sem_alloc : memref<!tpu.dma_semaphore, #tpu.memory_space<semaphore_mem>>
        %dma_start3A_53 = arith.constant 0 : i32
        %dma_start3A_54 = tpu.memref_slice %arg4[%multiple_of3A_51, %dma_start3A_53] : memref<81920x128xf32, #tpu.memory_space<hbm>> -> memref<128x128xf32, #tpu.memory_space<hbm>>
        %dma_start3A_55 = arith.constant 0 : i32
        %dma_start3A_56 = tpu.memref_slice %arg4[%multiple_of3A_51, %dma_start3A_55] : memref<81920x128xf32, #tpu.memory_space<hbm>> -> memref<128x128xf32, #tpu.memory_space<hbm>>
        tpu.enqueue_dma source(%arg7 : memref<128x128xf32, #tpu.memory_space<vmem>>) target(%dma_start3A_56 : memref<128x128xf32, #tpu.memory_space<hbm>>) target_semaphore(%run_scoped3A : memref<!tpu.dma_semaphore, #tpu.memory_space<semaphore_mem>>)
        %dma_wait3A_57 = arith.constant 0 : i32
        %dma_wait3A_58 = tpu.memref_slice %arg4[%multiple_of3A_51, %dma_wait3A_57] : memref<81920x128xf32, #tpu.memory_space<hbm>> -> memref<128x128xf32, #tpu.memory_space<hbm>>
        %dma_wait3A_59 = arith.constant 0 : i32
        %dma_wait3A_60 = tpu.memref_slice %arg4[%multiple_of3A_51, %dma_wait3A_59] : memref<81920x128xf32, #tpu.memory_space<hbm>> -> memref<128x128xf32, #tpu.memory_space<hbm>>
        tpu.wait_dma2 semaphore(%run_scoped3A : memref<!tpu.dma_semaphore, #tpu.memory_space<semaphore_mem>>) src(%arg7 : memref<128x128xf32, #tpu.memory_space<vmem>>) dst(%dma_wait3A_60 : memref<128x128xf32, #tpu.memory_space<hbm>>)
        tpu.yield
      }) : () -> ()
      %scan3A_52 = arith.constant 0 : i32
      scf.yield %scan3A_52 : i32
    }
    %scan3A_8 = arith.constant 10 : i32
    return
  }
}

module attributes {stable_mosaic.version = 14 : i64} {
  func.func @_knn_body(%arg0: i32, %arg1: memref<64x4096xf32, #tpu.memory_space<vmem>>, %arg2: memref<64x1024xf32, #tpu.memory_space<vmem>>, %arg3: memref<64x128xf32, #tpu.memory_space<vmem>>, %arg4: memref<32x1024xi32, #tpu.memory_space<vmem>>, %arg5: memref<1024x128xf32, #tpu.memory_space<vmem>>, %arg6: memref<1024x64xf32, #tpu.memory_space<vmem>>, %arg7: memref<1024x4096xf32, #tpu.memory_space<vmem>>) attributes {dimension_semantics = [#tpu.dimension_semantics<arbitrary>], iteration_bounds = array<i64: 4>, scalar_prefetch = 0 : i64, scratch_operands = 1 : i64, tpu.core_type = #tpu.core_type<tc>, window_params = [{pipeline_mode = #tpu.pipeline_mode<synchronous>, transform_indices = @transform_0, window_bounds = array<i64: 64, 4096>}, {transform_indices = @transform_1, window_bounds = array<i64: 64, 1024>}, {pipeline_mode = #tpu.pipeline_mode<synchronous>, transform_indices = @transform_2, window_bounds = array<i64: 64, 128>}, {transform_indices = @transform_3, window_bounds = array<i64: 32, 1024>}, {transform_indices = @transform_4, window_bounds = array<i64: 1024, 128>}, {transform_indices = @transform_5, window_bounds = array<i64: 1024, 64>}]} {
    %get3A = arith.constant 0 : index
    %get3A_0 = arith.constant 0 : index
    %get3A_1 = vector.load %arg1[%get3A, %get3A_0] : memref<64x4096xf32, #tpu.memory_space<vmem>>, vector<64x4096xf32>
    %get3A_2 = arith.constant 0 : index
    %get3A_3 = arith.constant 0 : index
    %get3A_4 = vector.load %arg2[%get3A_2, %get3A_3] : memref<64x1024xf32, #tpu.memory_space<vmem>>, vector<64x1024xf32>
    %get3A_5 = arith.constant 0 : index
    %get3A_6 = arith.constant 0 : index
    %get3A_7 = vector.load %arg3[%get3A_5, %get3A_6] : memref<64x128xf32, #tpu.memory_space<vmem>>, vector<64x128xf32>
    %dot_general3A = arith.constant dense<0.000000e+00> : vector<1024x4096xf32>
    %dot_general3A_8 = tpu.matmul %get3A_4, %get3A_1, %dot_general3A {dimension_numbers = #tpu.dot_dimension_numbers<[0], [0], [1], [1], [0, 1, 1, 1], [], []>, transpose_lhs_hint = false} : vector<64x1024xf32>, vector<64x4096xf32>, vector<1024x4096xf32> -> vector<1024x4096xf32>
    %mul3A = arith.mulf %get3A_1, %get3A_1 : vector<64x4096xf32>
    %reduce_sum3A = arith.constant dense<0.000000e+00> : vector<4096xf32>
    %reduce_sum3A_9 = vector.multi_reduction <add>, %mul3A, %reduce_sum3A [0] : vector<64x4096xf32> to vector<4096xf32>
    %broadcast_in_dim3A = vector.shape_cast %reduce_sum3A_9 : vector<4096xf32> to vector<1x4096xf32>
    %mul3A_10 = arith.mulf %get3A_4, %get3A_4 : vector<64x1024xf32>
    %reduce_sum3A_11 = arith.constant dense<0.000000e+00> : vector<1024xf32>
    %reduce_sum3A_12 = vector.multi_reduction <add>, %mul3A_10, %reduce_sum3A_11 [0] : vector<64x1024xf32> to vector<1024xf32>
    %broadcast_in_dim3A_13 = vector.shape_cast %reduce_sum3A_12 : vector<1024xf32> to vector<1024x1xf32>
    %mul3A_14 = arith.constant 2.000000e+00 : f32
    %mul3A_15 = vector.broadcast %mul3A_14 : f32 to vector<1024x4096xf32>
    %mul3A_16 = arith.mulf %mul3A_15, %dot_general3A_8 : vector<1024x4096xf32>
    %sub3A = vector.broadcast %broadcast_in_dim3A_13 : vector<1024x1xf32> to vector<1024x4096xf32>
    %sub3A_17 = arith.subf %mul3A_16, %sub3A : vector<1024x4096xf32>
    %sub3A_18 = vector.broadcast %broadcast_in_dim3A : vector<1x4096xf32> to vector<1024x4096xf32>
    %sub3A_19 = arith.subf %sub3A_17, %sub3A_18 : vector<1024x4096xf32>
    %swap3A = arith.constant 0 : index
    %swap3A_20 = arith.constant 0 : index
    %swap3A_21 = vector.load %arg7[%swap3A, %swap3A_20] : memref<1024x4096xf32, #tpu.memory_space<vmem>>, vector<1024x4096xf32>
    tpu.vector_store %arg7[%swap3A, %swap3A_20], %sub3A_19 {strides = array<i32>} : memref<1024x4096xf32, #tpu.memory_space<vmem>>, vector<1024x4096xf32>,
    %slice3A = vector.extract_strided_slice %get3A_7 {offsets = [0, 0], sizes = [64, 64], strides = [1, 1]} : vector<64x128xf32> to vector<64x64xf32>
    %broadcast_in_dim3A_22 = arith.constant 0.000000e+00 : f32
    %broadcast_in_dim3A_23 = vector.broadcast %broadcast_in_dim3A_22 : f32 to vector<64x64xf32>
    %concatenate3A = tpu.concatenate %slice3A, %broadcast_in_dim3A_23 in 0 : vector<64x64xf32>, vector<64x64xf32> -> vector<128x64xf32>
    %dot_general3A_24 = arith.constant dense<0.000000e+00> : vector<1024x128xf32>
    %dot_general3A_25 = tpu.matmul %get3A_4, %concatenate3A, %dot_general3A_24 {dimension_numbers = #tpu.dot_dimension_numbers<[0], [1], [1], [0], [0, 1, 1, 0], [], []>, transpose_lhs_hint = false} : vector<64x1024xf32>, vector<128x64xf32>, vector<1024x128xf32> -> vector<1024x128xf32>
    %swap3A_26 = arith.constant 0 : index
    %swap3A_27 = arith.constant 0 : index
    %swap3A_28 = vector.load %arg5[%swap3A_26, %swap3A_27] : memref<1024x128xf32, #tpu.memory_space<vmem>>, vector<1024x128xf32>
    tpu.vector_store %arg5[%swap3A_26, %swap3A_27], %dot_general3A_25 {strides = array<i32>} : memref<1024x128xf32, #tpu.memory_space<vmem>>, vector<1024x128xf32>,
    %slice3A_29 = vector.extract_strided_slice %get3A_7 {offsets = [0, 64], sizes = [64, 64], strides = [1, 1]} : vector<64x128xf32> to vector<64x64xf32>
    %dot_general3A_30 = arith.constant dense<0.000000e+00> : vector<1024x64xf32>
    %dot_general3A_31 = tpu.matmul %get3A_4, %slice3A_29, %dot_general3A_30 {dimension_numbers = #tpu.dot_dimension_numbers<[0], [1], [1], [0], [0, 1, 1, 0], [], []>, transpose_lhs_hint = false} : vector<64x1024xf32>, vector<64x64xf32>, vector<1024x64xf32> -> vector<1024x64xf32>
    %swap3A_32 = arith.constant 0 : index
    %swap3A_33 = arith.constant 0 : index
    %swap3A_34 = vector.load %arg6[%swap3A_32, %swap3A_33] : memref<1024x64xf32, #tpu.memory_space<vmem>>, vector<1024x64xf32>
    tpu.vector_store %arg6[%swap3A_32, %swap3A_33], %dot_general3A_31 {strides = array<i32>} : memref<1024x64xf32, #tpu.memory_space<vmem>>, vector<1024x64xf32>,
    %iota3A = tpu.iota {dimensions = array<i32: 1>} : vector<1024x4096xi32>
    %scan3A = arith.constant 0 : i32
    %scan3A_35 = arith.constant 20 : i32
    %scan3A_36 = arith.addi %scan3A, %scan3A_35 : i32
    %scan3A_37 = arith.constant 1 : i32
    scf.for %scan3A_39 = %scan3A to %scan3A_36 step %scan3A_37  : i32 {
      %get3A_40 = arith.constant 0 : index
      %get3A_41 = arith.constant 0 : index
      %get3A_42 = vector.load %arg7[%get3A_40, %get3A_41] : memref<1024x4096xf32, #tpu.memory_space<vmem>>, vector<1024x4096xf32>
      %reduce_max3A = arith.constant dense<0xFF800000> : vector<1024xf32>
      %reduce_max3A_43 = vector.multi_reduction <maximumf>, %get3A_42, %reduce_max3A [1] : vector<1024x4096xf32> to vector<1024xf32>
      %broadcast_in_dim3A_44 = vector.shape_cast %reduce_max3A_43 : vector<1024xf32> to vector<1024x1xf32>
      %eq3A = vector.broadcast %broadcast_in_dim3A_44 : vector<1024x1xf32> to vector<1024x4096xf32>
      %eq3A_45 = arith.cmpf oeq, %get3A_42, %eq3A : vector<1024x4096xf32>
      %jit3A = arith.constant 4096 : i32
      %broadcast_in_dim3A_46 = vector.broadcast %jit3A : i32 to vector<1024x4096xi32>
      %select_n3A = arith.select %eq3A_45, %iota3A, %broadcast_in_dim3A_46 : vector<1024x4096xi1>, vector<1024x4096xi32>
      %reduce_min3A = arith.constant dense<2147483647> : vector<1024xi32>
      %reduce_min3A_47 = vector.multi_reduction <minsi>, %select_n3A, %reduce_min3A [1] : vector<1024x4096xi32> to vector<1024xi32>
      %broadcast_in_dim3A_48 = vector.shape_cast %reduce_min3A_47 : vector<1024xi32> to vector<1x1024xi32>
      %swap3A_49 = arith.index_cast %scan3A_39 : i32 to index
      %swap3A_50 = arith.constant 0 : index
      %swap3A_51 = vector.load %arg4[%swap3A_49, %swap3A_50] : memref<32x1024xi32, #tpu.memory_space<vmem>>, vector<1x1024xi32>
      tpu.vector_store %arg4[%swap3A_49, %swap3A_50], %broadcast_in_dim3A_48 {strides = array<i32>} : memref<32x1024xi32, #tpu.memory_space<vmem>>, vector<1x1024xi32>,
      %broadcast_in_dim3A_52 = vector.shape_cast %reduce_min3A_47 : vector<1024xi32> to vector<1024x1xi32>
      %eq3A_53 = vector.broadcast %broadcast_in_dim3A_52 : vector<1024x1xi32> to vector<1024x4096xi32>
      %eq3A_54 = arith.cmpi eq, %iota3A, %eq3A_53 : vector<1024x4096xi32>
      %jit3A_55 = arith.constant 0xFF800000 : f32
      %broadcast_in_dim3A_56 = vector.broadcast %jit3A_55 : f32 to vector<1024x4096xf32>
      %select_n3A_57 = arith.select %eq3A_54, %broadcast_in_dim3A_56, %get3A_42 : vector<1024x4096xi1>, vector<1024x4096xf32>
      %swap3A_58 = arith.constant 0 : index
      %swap3A_59 = arith.constant 0 : index
      %swap3A_60 = vector.load %arg7[%swap3A_58, %swap3A_59] : memref<1024x4096xf32, #tpu.memory_space<vmem>>, vector<1024x4096xf32>
      tpu.vector_store %arg7[%swap3A_58, %swap3A_59], %select_n3A_57 {strides = array<i32>} : memref<1024x4096xf32, #tpu.memory_space<vmem>>, vector<1024x4096xf32>,
    }
    %scan3A_38 = arith.constant 20 : i32
    return
  }
  func.func @transform_0(%arg0: i32) -> (i32, i32) {
    %c0_i32 = arith.constant 0 : i32
    %c0_i32_0 = arith.constant 0 : i32
    %c0_i32_1 = arith.constant 0 : i32
    return %c0_i32, %c0_i32_0 : i32, i32
  }
  func.func @transform_1(%arg0: i32) -> (i32, i32) {
    %c0_i32 = arith.constant 0 : i32
    %c0_i32_0 = arith.constant 0 : i32
    return %c0_i32, %arg0 : i32, i32
  }
  func.func @transform_2(%arg0: i32) -> (i32, i32) {
    %c0_i32 = arith.constant 0 : i32
    %c0_i32_0 = arith.constant 0 : i32
    %c0_i32_1 = arith.constant 0 : i32
    return %c0_i32, %c0_i32_0 : i32, i32
  }
  func.func @transform_3(%arg0: i32) -> (i32, i32) {
    %c0_i32 = arith.constant 0 : i32
    %c0_i32_0 = arith.constant 0 : i32
    return %c0_i32, %arg0 : i32, i32
  }
  func.func @transform_4(%arg0: i32) -> (i32, i32) {
    %c0_i32 = arith.constant 0 : i32
    %c0_i32_0 = arith.constant 0 : i32
    return %arg0, %c0_i32 : i32, i32
  }
  func.func @transform_5(%arg0: i32) -> (i32, i32) {
    %c0_i32 = arith.constant 0 : i32
    %c0_i32_0 = arith.constant 0 : i32
    return %arg0, %c0_i32 : i32, i32
  }
}

module attributes {stable_mosaic.version = 14 : i64} {
  func.func @_pool_body(%arg0: i32, %arg1: memref<20x128x128xf32, #tpu.memory_space<vmem>>, %arg2: memref<128x64xf32, #tpu.memory_space<vmem>>, %arg3: memref<128x64xf32, #tpu.memory_space<vmem>>, %arg4: memref<8x128xf32, #tpu.memory_space<vmem>>) attributes {dimension_semantics = [#tpu.dimension_semantics<arbitrary>], iteration_bounds = array<i64: 32>, scalar_prefetch = 0 : i64, scratch_operands = 0 : i64, tpu.core_type = #tpu.core_type<tc>, window_params = [{transform_indices = @transform_0, window_bounds = array<i64: 20, 128, 128>}, {transform_indices = @transform_1, window_bounds = array<i64: 128, 64>}, {transform_indices = @transform_2, window_bounds = array<i64: 128, 64>}, {pipeline_mode = #tpu.pipeline_mode<synchronous>, transform_indices = @transform_3, window_bounds = array<i64: 8, 128>}]} {
    %get3A = arith.constant 0 : index
    %get3A_0 = arith.constant 0 : index
    %get3A_1 = vector.load %arg2[%get3A, %get3A_0] : memref<128x64xf32, #tpu.memory_space<vmem>>, vector<128x64xf32>
    %broadcast_in_dim3A = arith.constant 0xFF800000 : f32
    %broadcast_in_dim3A_2 = vector.broadcast %broadcast_in_dim3A : f32 to vector<128x64xf32>
    %broadcast_in_dim3A_3 = arith.constant 0.000000e+00 : f32
    %broadcast_in_dim3A_4 = vector.broadcast %broadcast_in_dim3A_3 : f32 to vector<128x64xf32>
    %broadcast_in_dim3A_5 = arith.constant 0.000000e+00 : f32
    %broadcast_in_dim3A_6 = vector.broadcast %broadcast_in_dim3A_5 : f32 to vector<128x64xf32>
    %get3A_7 = arith.constant 0 : index
    %get3A_8 = arith.constant 0 : index
    %get3A_9 = arith.constant 0 : index
    %get3A_10 = vector.load %arg1[%get3A_7, %get3A_8, %get3A_9] : memref<20x128x128xf32, #tpu.memory_space<vmem>>, vector<1x128x64xf32>
    %get3A_11 = vector.shape_cast %get3A_10 : vector<1x128x64xf32> to vector<128x64xf32>
    %add3A = arith.addf %get3A_11, %get3A_1 : vector<128x64xf32>
    %max3A = arith.maximumf %broadcast_in_dim3A_2, %add3A : vector<128x64xf32>
    %add3A_12 = arith.addf %broadcast_in_dim3A_4, %add3A : vector<128x64xf32>
    %mul3A = arith.mulf %add3A, %add3A : vector<128x64xf32>
    %add3A_13 = arith.addf %broadcast_in_dim3A_6, %mul3A : vector<128x64xf32>
    %get3A_14 = arith.constant 1 : index
    %get3A_15 = arith.constant 0 : index
    %get3A_16 = arith.constant 0 : index
    %get3A_17 = vector.load %arg1[%get3A_14, %get3A_15, %get3A_16] : memref<20x128x128xf32, #tpu.memory_space<vmem>>, vector<1x128x64xf32>
    %get3A_18 = vector.shape_cast %get3A_17 : vector<1x128x64xf32> to vector<128x64xf32>
    %add3A_19 = arith.addf %get3A_18, %get3A_1 : vector<128x64xf32>
    %max3A_20 = arith.maximumf %max3A, %add3A_19 : vector<128x64xf32>
    %add3A_21 = arith.addf %add3A_12, %add3A_19 : vector<128x64xf32>
    %mul3A_22 = arith.mulf %add3A_19, %add3A_19 : vector<128x64xf32>
    %add3A_23 = arith.addf %add3A_13, %mul3A_22 : vector<128x64xf32>
    %get3A_24 = arith.constant 2 : index
    %get3A_25 = arith.constant 0 : index
    %get3A_26 = arith.constant 0 : index
    %get3A_27 = vector.load %arg1[%get3A_24, %get3A_25, %get3A_26] : memref<20x128x128xf32, #tpu.memory_space<vmem>>, vector<1x128x64xf32>
    %get3A_28 = vector.shape_cast %get3A_27 : vector<1x128x64xf32> to vector<128x64xf32>
    %add3A_29 = arith.addf %get3A_28, %get3A_1 : vector<128x64xf32>
    %max3A_30 = arith.maximumf %max3A_20, %add3A_29 : vector<128x64xf32>
    %add3A_31 = arith.addf %add3A_21, %add3A_29 : vector<128x64xf32>
    %mul3A_32 = arith.mulf %add3A_29, %add3A_29 : vector<128x64xf32>
    %add3A_33 = arith.addf %add3A_23, %mul3A_32 : vector<128x64xf32>
    %get3A_34 = arith.constant 3 : index
    %get3A_35 = arith.constant 0 : index
    %get3A_36 = arith.constant 0 : index
    %get3A_37 = vector.load %arg1[%get3A_34, %get3A_35, %get3A_36] : memref<20x128x128xf32, #tpu.memory_space<vmem>>, vector<1x128x64xf32>
    %get3A_38 = vector.shape_cast %get3A_37 : vector<1x128x64xf32> to vector<128x64xf32>
    %add3A_39 = arith.addf %get3A_38, %get3A_1 : vector<128x64xf32>
    %max3A_40 = arith.maximumf %max3A_30, %add3A_39 : vector<128x64xf32>
    %add3A_41 = arith.addf %add3A_31, %add3A_39 : vector<128x64xf32>
    %mul3A_42 = arith.mulf %add3A_39, %add3A_39 : vector<128x64xf32>
    %add3A_43 = arith.addf %add3A_33, %mul3A_42 : vector<128x64xf32>
    %get3A_44 = arith.constant 4 : index
    %get3A_45 = arith.constant 0 : index
    %get3A_46 = arith.constant 0 : index
    %get3A_47 = vector.load %arg1[%get3A_44, %get3A_45, %get3A_46] : memref<20x128x128xf32, #tpu.memory_space<vmem>>, vector<1x128x64xf32>
    %get3A_48 = vector.shape_cast %get3A_47 : vector<1x128x64xf32> to vector<128x64xf32>
    %add3A_49 = arith.addf %get3A_48, %get3A_1 : vector<128x64xf32>
    %max3A_50 = arith.maximumf %max3A_40, %add3A_49 : vector<128x64xf32>
    %add3A_51 = arith.addf %add3A_41, %add3A_49 : vector<128x64xf32>
    %mul3A_52 = arith.mulf %add3A_49, %add3A_49 : vector<128x64xf32>
    %add3A_53 = arith.addf %add3A_43, %mul3A_52 : vector<128x64xf32>
    %get3A_54 = arith.constant 5 : index
    %get3A_55 = arith.constant 0 : index
    %get3A_56 = arith.constant 0 : index
    %get3A_57 = vector.load %arg1[%get3A_54, %get3A_55, %get3A_56] : memref<20x128x128xf32, #tpu.memory_space<vmem>>, vector<1x128x64xf32>
    %get3A_58 = vector.shape_cast %get3A_57 : vector<1x128x64xf32> to vector<128x64xf32>
    %add3A_59 = arith.addf %get3A_58, %get3A_1 : vector<128x64xf32>
    %max3A_60 = arith.maximumf %max3A_50, %add3A_59 : vector<128x64xf32>
    %add3A_61 = arith.addf %add3A_51, %add3A_59 : vector<128x64xf32>
    %mul3A_62 = arith.mulf %add3A_59, %add3A_59 : vector<128x64xf32>
    %add3A_63 = arith.addf %add3A_53, %mul3A_62 : vector<128x64xf32>
    %get3A_64 = arith.constant 6 : index
    %get3A_65 = arith.constant 0 : index
    %get3A_66 = arith.constant 0 : index
    %get3A_67 = vector.load %arg1[%get3A_64, %get3A_65, %get3A_66] : memref<20x128x128xf32, #tpu.memory_space<vmem>>, vector<1x128x64xf32>
    %get3A_68 = vector.shape_cast %get3A_67 : vector<1x128x64xf32> to vector<128x64xf32>
    %add3A_69 = arith.addf %get3A_68, %get3A_1 : vector<128x64xf32>
    %max3A_70 = arith.maximumf %max3A_60, %add3A_69 : vector<128x64xf32>
    %add3A_71 = arith.addf %add3A_61, %add3A_69 : vector<128x64xf32>
    %mul3A_72 = arith.mulf %add3A_69, %add3A_69 : vector<128x64xf32>
    %add3A_73 = arith.addf %add3A_63, %mul3A_72 : vector<128x64xf32>
    %get3A_74 = arith.constant 7 : index
    %get3A_75 = arith.constant 0 : index
    %get3A_76 = arith.constant 0 : index
    %get3A_77 = vector.load %arg1[%get3A_74, %get3A_75, %get3A_76] : memref<20x128x128xf32, #tpu.memory_space<vmem>>, vector<1x128x64xf32>
    %get3A_78 = vector.shape_cast %get3A_77 : vector<1x128x64xf32> to vector<128x64xf32>
    %add3A_79 = arith.addf %get3A_78, %get3A_1 : vector<128x64xf32>
    %max3A_80 = arith.maximumf %max3A_70, %add3A_79 : vector<128x64xf32>
    %add3A_81 = arith.addf %add3A_71, %add3A_79 : vector<128x64xf32>
    %mul3A_82 = arith.mulf %add3A_79, %add3A_79 : vector<128x64xf32>
    %add3A_83 = arith.addf %add3A_73, %mul3A_82 : vector<128x64xf32>
    %get3A_84 = arith.constant 8 : index
    %get3A_85 = arith.constant 0 : index
    %get3A_86 = arith.constant 0 : index
    %get3A_87 = vector.load %arg1[%get3A_84, %get3A_85, %get3A_86] : memref<20x128x128xf32, #tpu.memory_space<vmem>>, vector<1x128x64xf32>
    %get3A_88 = vector.shape_cast %get3A_87 : vector<1x128x64xf32> to vector<128x64xf32>
    %add3A_89 = arith.addf %get3A_88, %get3A_1 : vector<128x64xf32>
    %max3A_90 = arith.maximumf %max3A_80, %add3A_89 : vector<128x64xf32>
    %add3A_91 = arith.addf %add3A_81, %add3A_89 : vector<128x64xf32>
    %mul3A_92 = arith.mulf %add3A_89, %add3A_89 : vector<128x64xf32>
    %add3A_93 = arith.addf %add3A_83, %mul3A_92 : vector<128x64xf32>
    %get3A_94 = arith.constant 9 : index
    %get3A_95 = arith.constant 0 : index
    %get3A_96 = arith.constant 0 : index
    %get3A_97 = vector.load %arg1[%get3A_94, %get3A_95, %get3A_96] : memref<20x128x128xf32, #tpu.memory_space<vmem>>, vector<1x128x64xf32>
    %get3A_98 = vector.shape_cast %get3A_97 : vector<1x128x64xf32> to vector<128x64xf32>
    %add3A_99 = arith.addf %get3A_98, %get3A_1 : vector<128x64xf32>
    %max3A_100 = arith.maximumf %max3A_90, %add3A_99 : vector<128x64xf32>
    %add3A_101 = arith.addf %add3A_91, %add3A_99 : vector<128x64xf32>
    %mul3A_102 = arith.mulf %add3A_99, %add3A_99 : vector<128x64xf32>
    %add3A_103 = arith.addf %add3A_93, %mul3A_102 : vector<128x64xf32>
    %get3A_104 = arith.constant 10 : index
    %get3A_105 = arith.constant 0 : index
    %get3A_106 = arith.constant 0 : index
    %get3A_107 = vector.load %arg1[%get3A_104, %get3A_105, %get3A_106] : memref<20x128x128xf32, #tpu.memory_space<vmem>>, vector<1x128x64xf32>
    %get3A_108 = vector.shape_cast %get3A_107 : vector<1x128x64xf32> to vector<128x64xf32>
    %add3A_109 = arith.addf %get3A_108, %get3A_1 : vector<128x64xf32>
    %max3A_110 = arith.maximumf %max3A_100, %add3A_109 : vector<128x64xf32>
    %add3A_111 = arith.addf %add3A_101, %add3A_109 : vector<128x64xf32>
    %mul3A_112 = arith.mulf %add3A_109, %add3A_109 : vector<128x64xf32>
    %add3A_113 = arith.addf %add3A_103, %mul3A_112 : vector<128x64xf32>
    %get3A_114 = arith.constant 11 : index
    %get3A_115 = arith.constant 0 : index
    %get3A_116 = arith.constant 0 : index
    %get3A_117 = vector.load %arg1[%get3A_114, %get3A_115, %get3A_116] : memref<20x128x128xf32, #tpu.memory_space<vmem>>, vector<1x128x64xf32>
    %get3A_118 = vector.shape_cast %get3A_117 : vector<1x128x64xf32> to vector<128x64xf32>
    %add3A_119 = arith.addf %get3A_118, %get3A_1 : vector<128x64xf32>
    %max3A_120 = arith.maximumf %max3A_110, %add3A_119 : vector<128x64xf32>
    %add3A_121 = arith.addf %add3A_111, %add3A_119 : vector<128x64xf32>
    %mul3A_122 = arith.mulf %add3A_119, %add3A_119 : vector<128x64xf32>
    %add3A_123 = arith.addf %add3A_113, %mul3A_122 : vector<128x64xf32>
    %get3A_124 = arith.constant 12 : index
    %get3A_125 = arith.constant 0 : index
    %get3A_126 = arith.constant 0 : index
    %get3A_127 = vector.load %arg1[%get3A_124, %get3A_125, %get3A_126] : memref<20x128x128xf32, #tpu.memory_space<vmem>>, vector<1x128x64xf32>
    %get3A_128 = vector.shape_cast %get3A_127 : vector<1x128x64xf32> to vector<128x64xf32>
    %add3A_129 = arith.addf %get3A_128, %get3A_1 : vector<128x64xf32>
    %max3A_130 = arith.maximumf %max3A_120, %add3A_129 : vector<128x64xf32>
    %add3A_131 = arith.addf %add3A_121, %add3A_129 : vector<128x64xf32>
    %mul3A_132 = arith.mulf %add3A_129, %add3A_129 : vector<128x64xf32>
    %add3A_133 = arith.addf %add3A_123, %mul3A_132 : vector<128x64xf32>
    %get3A_134 = arith.constant 13 : index
    %get3A_135 = arith.constant 0 : index
    %get3A_136 = arith.constant 0 : index
    %get3A_137 = vector.load %arg1[%get3A_134, %get3A_135, %get3A_136] : memref<20x128x128xf32, #tpu.memory_space<vmem>>, vector<1x128x64xf32>
    %get3A_138 = vector.shape_cast %get3A_137 : vector<1x128x64xf32> to vector<128x64xf32>
    %add3A_139 = arith.addf %get3A_138, %get3A_1 : vector<128x64xf32>
    %max3A_140 = arith.maximumf %max3A_130, %add3A_139 : vector<128x64xf32>
    %add3A_141 = arith.addf %add3A_131, %add3A_139 : vector<128x64xf32>
    %mul3A_142 = arith.mulf %add3A_139, %add3A_139 : vector<128x64xf32>
    %add3A_143 = arith.addf %add3A_133, %mul3A_142 : vector<128x64xf32>
    %get3A_144 = arith.constant 14 : index
    %get3A_145 = arith.constant 0 : index
    %get3A_146 = arith.constant 0 : index
    %get3A_147 = vector.load %arg1[%get3A_144, %get3A_145, %get3A_146] : memref<20x128x128xf32, #tpu.memory_space<vmem>>, vector<1x128x64xf32>
    %get3A_148 = vector.shape_cast %get3A_147 : vector<1x128x64xf32> to vector<128x64xf32>
    %add3A_149 = arith.addf %get3A_148, %get3A_1 : vector<128x64xf32>
    %max3A_150 = arith.maximumf %max3A_140, %add3A_149 : vector<128x64xf32>
    %add3A_151 = arith.addf %add3A_141, %add3A_149 : vector<128x64xf32>
    %mul3A_152 = arith.mulf %add3A_149, %add3A_149 : vector<128x64xf32>
    %add3A_153 = arith.addf %add3A_143, %mul3A_152 : vector<128x64xf32>
    %get3A_154 = arith.constant 15 : index
    %get3A_155 = arith.constant 0 : index
    %get3A_156 = arith.constant 0 : index
    %get3A_157 = vector.load %arg1[%get3A_154, %get3A_155, %get3A_156] : memref<20x128x128xf32, #tpu.memory_space<vmem>>, vector<1x128x64xf32>
    %get3A_158 = vector.shape_cast %get3A_157 : vector<1x128x64xf32> to vector<128x64xf32>
    %add3A_159 = arith.addf %get3A_158, %get3A_1 : vector<128x64xf32>
    %max3A_160 = arith.maximumf %max3A_150, %add3A_159 : vector<128x64xf32>
    %add3A_161 = arith.addf %add3A_151, %add3A_159 : vector<128x64xf32>
    %mul3A_162 = arith.mulf %add3A_159, %add3A_159 : vector<128x64xf32>
    %add3A_163 = arith.addf %add3A_153, %mul3A_162 : vector<128x64xf32>
    %get3A_164 = arith.constant 16 : index
    %get3A_165 = arith.constant 0 : index
    %get3A_166 = arith.constant 0 : index
    %get3A_167 = vector.load %arg1[%get3A_164, %get3A_165, %get3A_166] : memref<20x128x128xf32, #tpu.memory_space<vmem>>, vector<1x128x64xf32>
    %get3A_168 = vector.shape_cast %get3A_167 : vector<1x128x64xf32> to vector<128x64xf32>
    %add3A_169 = arith.addf %get3A_168, %get3A_1 : vector<128x64xf32>
    %max3A_170 = arith.maximumf %max3A_160, %add3A_169 : vector<128x64xf32>
    %add3A_171 = arith.addf %add3A_161, %add3A_169 : vector<128x64xf32>
    %mul3A_172 = arith.mulf %add3A_169, %add3A_169 : vector<128x64xf32>
    %add3A_173 = arith.addf %add3A_163, %mul3A_172 : vector<128x64xf32>
    %get3A_174 = arith.constant 17 : index
    %get3A_175 = arith.constant 0 : index
    %get3A_176 = arith.constant 0 : index
    %get3A_177 = vector.load %arg1[%get3A_174, %get3A_175, %get3A_176] : memref<20x128x128xf32, #tpu.memory_space<vmem>>, vector<1x128x64xf32>
    %get3A_178 = vector.shape_cast %get3A_177 : vector<1x128x64xf32> to vector<128x64xf32>
    %add3A_179 = arith.addf %get3A_178, %get3A_1 : vector<128x64xf32>
    %max3A_180 = arith.maximumf %max3A_170, %add3A_179 : vector<128x64xf32>
    %add3A_181 = arith.addf %add3A_171, %add3A_179 : vector<128x64xf32>
    %mul3A_182 = arith.mulf %add3A_179, %add3A_179 : vector<128x64xf32>
    %add3A_183 = arith.addf %add3A_173, %mul3A_182 : vector<128x64xf32>
    %get3A_184 = arith.constant 18 : index
    %get3A_185 = arith.constant 0 : index
    %get3A_186 = arith.constant 0 : index
    %get3A_187 = vector.load %arg1[%get3A_184, %get3A_185, %get3A_186] : memref<20x128x128xf32, #tpu.memory_space<vmem>>, vector<1x128x64xf32>
    %get3A_188 = vector.shape_cast %get3A_187 : vector<1x128x64xf32> to vector<128x64xf32>
    %add3A_189 = arith.addf %get3A_188, %get3A_1 : vector<128x64xf32>
    %max3A_190 = arith.maximumf %max3A_180, %add3A_189 : vector<128x64xf32>
    %add3A_191 = arith.addf %add3A_181, %add3A_189 : vector<128x64xf32>
    %mul3A_192 = arith.mulf %add3A_189, %add3A_189 : vector<128x64xf32>
    %add3A_193 = arith.addf %add3A_183, %mul3A_192 : vector<128x64xf32>
    %get3A_194 = arith.constant 19 : index
    %get3A_195 = arith.constant 0 : index
    %get3A_196 = arith.constant 0 : index
    %get3A_197 = vector.load %arg1[%get3A_194, %get3A_195, %get3A_196] : memref<20x128x128xf32, #tpu.memory_space<vmem>>, vector<1x128x64xf32>
    %get3A_198 = vector.shape_cast %get3A_197 : vector<1x128x64xf32> to vector<128x64xf32>
    %add3A_199 = arith.addf %get3A_198, %get3A_1 : vector<128x64xf32>
    %max3A_200 = arith.maximumf %max3A_190, %add3A_199 : vector<128x64xf32>
    %add3A_201 = arith.addf %add3A_191, %add3A_199 : vector<128x64xf32>
    %mul3A_202 = arith.mulf %add3A_199, %add3A_199 : vector<128x64xf32>
    %add3A_203 = arith.addf %add3A_193, %mul3A_202 : vector<128x64xf32>
    %swap3A = arith.constant 0 : index
    %swap3A_204 = arith.constant 0 : index
    %swap3A_205 = vector.load %arg3[%swap3A, %swap3A_204] : memref<128x64xf32, #tpu.memory_space<vmem>>, vector<128x64xf32>
    tpu.vector_store %arg3[%swap3A, %swap3A_204], %max3A_200 {strides = array<i32>} : memref<128x64xf32, #tpu.memory_space<vmem>>, vector<128x64xf32>,
    %reduce_sum3A = arith.constant dense<0.000000e+00> : vector<64xf32>
    %reduce_sum3A_206 = vector.multi_reduction <add>, %add3A_201, %reduce_sum3A [0] : vector<128x64xf32> to vector<64xf32>
    %reduce_sum3A_207 = arith.constant dense<0.000000e+00> : vector<64xf32>
    %reduce_sum3A_208 = vector.multi_reduction <add>, %add3A_203, %reduce_sum3A_207 [0] : vector<128x64xf32> to vector<64xf32>
    %broadcast_in_dim3A_209 = arith.constant 0.000000e+00 : f32
    %broadcast_in_dim3A_210 = vector.broadcast %broadcast_in_dim3A_209 : f32 to vector<64xf32>
    %concatenate3A = tpu.concatenate %reduce_sum3A_206, %broadcast_in_dim3A_210 in 0 : vector<64xf32>, vector<64xf32> -> vector<128xf32>
    %broadcast_in_dim3A_211 = vector.shape_cast %concatenate3A : vector<128xf32> to vector<1x128xf32>
    %concatenate3A_212 = tpu.concatenate %reduce_sum3A_208, %broadcast_in_dim3A_210 in 0 : vector<64xf32>, vector<64xf32> -> vector<128xf32>
    %broadcast_in_dim3A_213 = vector.shape_cast %concatenate3A_212 : vector<128xf32> to vector<1x128xf32>
    %broadcast_in_dim3A_214 = arith.constant 0.000000e+00 : f32
    %broadcast_in_dim3A_215 = vector.broadcast %broadcast_in_dim3A_214 : f32 to vector<6x128xf32>
    %concatenate3A_216 = tpu.concatenate %broadcast_in_dim3A_211, %broadcast_in_dim3A_213, %broadcast_in_dim3A_215 in 0 : vector<1x128xf32>, vector<1x128xf32>, vector<6x128xf32> -> vector<8x128xf32>
    %eq3A = arith.constant 0 : i32
    %eq3A_217 = arith.cmpi eq, %arg0, %eq3A : i32
    %convert_element_type3A = arith.extui %eq3A_217 : i1 to i32
    %cond3A = arith.constant 0 : i32
    %cond3A_218 = arith.cmpi ne, %convert_element_type3A, %cond3A : i32
    scf.if %cond3A_218 {
      %broadcast_in_dim3A_226 = arith.constant 0.000000e+00 : f32
      %broadcast_in_dim3A_227 = vector.broadcast %broadcast_in_dim3A_226 : f32 to vector<8x128xf32>
      %swap3A_228 = arith.constant 0 : index
      %swap3A_229 = arith.constant 0 : index
      %swap3A_230 = vector.load %arg4[%swap3A_228, %swap3A_229] : memref<8x128xf32, #tpu.memory_space<vmem>>, vector<8x128xf32>
      tpu.vector_store %arg4[%swap3A_228, %swap3A_229], %broadcast_in_dim3A_227 {strides = array<i32>} : memref<8x128xf32, #tpu.memory_space<vmem>>, vector<8x128xf32>,
    } else {
    }
    %get3A_219 = arith.constant 0 : index
    %get3A_220 = arith.constant 0 : index
    %get3A_221 = vector.load %arg4[%get3A_219, %get3A_220] : memref<8x128xf32, #tpu.memory_space<vmem>>, vector<8x128xf32>
    %add3A_222 = arith.addf %get3A_221, %concatenate3A_216 : vector<8x128xf32>
    %swap3A_223 = arith.constant 0 : index
    %swap3A_224 = arith.constant 0 : index
    %swap3A_225 = vector.load %arg4[%swap3A_223, %swap3A_224] : memref<8x128xf32, #tpu.memory_space<vmem>>, vector<8x128xf32>
    tpu.vector_store %arg4[%swap3A_223, %swap3A_224], %add3A_222 {strides = array<i32>} : memref<8x128xf32, #tpu.memory_space<vmem>>, vector<8x128xf32>,
    return
  }
  func.func @transform_0(%arg0: i32) -> (i32, i32, i32) {
    %c0_i32 = arith.constant 0 : i32
    %c0_i32_0 = arith.constant 0 : i32
    %c0_i32_1 = arith.constant 0 : i32
    return %c0_i32, %arg0, %c0_i32_0 : i32, i32, i32
  }
  func.func @transform_1(%arg0: i32) -> (i32, i32) {
    %c0_i32 = arith.constant 0 : i32
    %c0_i32_0 = arith.constant 0 : i32
    return %arg0, %c0_i32 : i32, i32
  }
  func.func @transform_2(%arg0: i32) -> (i32, i32) {
    %c0_i32 = arith.constant 0 : i32
    %c0_i32_0 = arith.constant 0 : i32
    return %arg0, %c0_i32 : i32, i32
  }
  func.func @transform_3(%arg0: i32) -> (i32, i32) {
    %c0_i32 = arith.constant 0 : i32
    %c0_i32_0 = arith.constant 0 : i32
    %c0_i32_1 = arith.constant 0 : i32
    return %c0_i32, %c0_i32_0 : i32, i32
  }
}

module attributes {stable_mosaic.version = 14 : i64} {
  func.func @_norm_body(%arg0: i32, %arg1: memref<512x64xf32, #tpu.memory_space<vmem>>, %arg2: memref<8x128xf32, #tpu.memory_space<vmem>>, %arg3: memref<8x128xf32, #tpu.memory_space<vmem>>, %arg4: memref<512x64xf32, #tpu.memory_space<vmem>>) attributes {dimension_semantics = [#tpu.dimension_semantics<arbitrary>], iteration_bounds = array<i64: 8>, scalar_prefetch = 0 : i64, scratch_operands = 0 : i64, tpu.core_type = #tpu.core_type<tc>, window_params = [{transform_indices = @transform_0, window_bounds = array<i64: 512, 64>}, {pipeline_mode = #tpu.pipeline_mode<synchronous>, transform_indices = @transform_1, window_bounds = array<i64: 8, 128>}, {pipeline_mode = #tpu.pipeline_mode<synchronous>, transform_indices = @transform_2, window_bounds = array<i64: 8, 128>}, {transform_indices = @transform_3, window_bounds = array<i64: 512, 64>}]} {
    %get3A = arith.constant 0 : index
    %get3A_0 = arith.constant 0 : index
    %get3A_1 = vector.load %arg1[%get3A, %get3A_0] : memref<512x64xf32, #tpu.memory_space<vmem>>, vector<512x64xf32>
    %get3A_2 = arith.constant 0 : index
    %get3A_3 = arith.constant 0 : index
    %get3A_4 = vector.load %arg2[%get3A_2, %get3A_3] : memref<8x128xf32, #tpu.memory_space<vmem>>, vector<1x64xf32>
    %get3A_5 = vector.shape_cast %get3A_4 : vector<1x64xf32> to vector<64xf32>
    %get3A_6 = arith.constant 1 : index
    %get3A_7 = arith.constant 0 : index
    %get3A_8 = vector.load %arg2[%get3A_6, %get3A_7] : memref<8x128xf32, #tpu.memory_space<vmem>>, vector<1x64xf32>
    %get3A_9 = vector.shape_cast %get3A_8 : vector<1x64xf32> to vector<64xf32>
    %get3A_10 = arith.constant 0 : index
    %get3A_11 = arith.constant 0 : index
    %get3A_12 = vector.load %arg3[%get3A_10, %get3A_11] : memref<8x128xf32, #tpu.memory_space<vmem>>, vector<1x64xf32>
    %get3A_13 = vector.shape_cast %get3A_12 : vector<1x64xf32> to vector<64xf32>
    %get3A_14 = arith.constant 1 : index
    %get3A_15 = arith.constant 0 : index
    %get3A_16 = vector.load %arg3[%get3A_14, %get3A_15] : memref<8x128xf32, #tpu.memory_space<vmem>>, vector<1x64xf32>
    %get3A_17 = vector.shape_cast %get3A_16 : vector<1x64xf32> to vector<64xf32>
    %div3A = arith.constant 3.276800e+05 : f32
    %div3A_18 = vector.broadcast %div3A : f32 to vector<64xf32>
    %div3A_19 = arith.divf %get3A_5, %div3A_18 : vector<64xf32>
    %div3A_20 = arith.constant 3.276800e+05 : f32
    %div3A_21 = vector.broadcast %div3A_20 : f32 to vector<64xf32>
    %div3A_22 = arith.divf %get3A_9, %div3A_21 : vector<64xf32>
    %mul3A = arith.mulf %div3A_19, %div3A_19 : vector<64xf32>
    %sub3A = arith.subf %div3A_22, %mul3A : vector<64xf32>
    %add3A = arith.constant 9.99999974E-6 : f32
    %add3A_23 = vector.broadcast %add3A : f32 to vector<64xf32>
    %add3A_24 = arith.addf %sub3A, %add3A_23 : vector<64xf32>
    %rsqrt3A = math.rsqrt %add3A_24 : vector<64xf32>
    %mul3A_25 = arith.mulf %rsqrt3A, %get3A_13 : vector<64xf32>
    %mul3A_26 = arith.mulf %div3A_19, %mul3A_25 : vector<64xf32>
    %sub3A_27 = arith.subf %get3A_17, %mul3A_26 : vector<64xf32>
    %broadcast_in_dim3A = vector.shape_cast %mul3A_25 : vector<64xf32> to vector<1x64xf32>
    %mul3A_28 = vector.broadcast %broadcast_in_dim3A : vector<1x64xf32> to vector<512x64xf32>
    %mul3A_29 = arith.mulf %get3A_1, %mul3A_28 : vector<512x64xf32>
    %broadcast_in_dim3A_30 = vector.shape_cast %sub3A_27 : vector<64xf32> to vector<1x64xf32>
    %add3A_31 = vector.broadcast %broadcast_in_dim3A_30 : vector<1x64xf32> to vector<512x64xf32>
    %add3A_32 = arith.addf %mul3A_29, %add3A_31 : vector<512x64xf32>
    %gt3A = arith.constant 0.000000e+00 : f32
    %gt3A_33 = vector.broadcast %gt3A : f32 to vector<512x64xf32>
    %gt3A_34 = arith.cmpf ogt, %add3A_32, %gt3A_33 : vector<512x64xf32>
    %mul3A_35 = arith.constant 2.000000e-01 : f32
    %mul3A_36 = vector.broadcast %mul3A_35 : f32 to vector<512x64xf32>
    %mul3A_37 = arith.mulf %mul3A_36, %add3A_32 : vector<512x64xf32>
    %select_n3A = arith.select %gt3A_34, %add3A_32, %mul3A_37 : vector<512x64xi1>, vector<512x64xf32>
    %swap3A = arith.constant 0 : index
    %swap3A_38 = arith.constant 0 : index
    %swap3A_39 = vector.load %arg4[%swap3A, %swap3A_38] : memref<512x64xf32, #tpu.memory_space<vmem>>, vector<512x64xf32>
    tpu.vector_store %arg4[%swap3A, %swap3A_38], %select_n3A {strides = array<i32>} : memref<512x64xf32, #tpu.memory_space<vmem>>, vector<512x64xf32>,
    return
  }
  func.func @transform_0(%arg0: i32) -> (i32, i32) {
    %c0_i32 = arith.constant 0 : i32
    %c0_i32_0 = arith.constant 0 : i32
    return %arg0, %c0_i32 : i32, i32
  }
  func.func @transform_1(%arg0: i32) -> (i32, i32) {
    %c0_i32 = arith.constant 0 : i32
    %c0_i32_0 = arith.constant 0 : i32
    %c0_i32_1 = arith.constant 0 : i32
    return %c0_i32, %c0_i32_0 : i32, i32
  }
  func.func @transform_2(%arg0: i32) -> (i32, i32) {
    %c0_i32 = arith.constant 0 : i32
    %c0_i32_0 = arith.constant 0 : i32
    %c0_i32_1 = arith.constant 0 : i32
    return %c0_i32, %c0_i32_0 : i32, i32
  }
  func.func @transform_3(%arg0: i32) -> (i32, i32) {
    %c0_i32 = arith.constant 0 : i32
    %c0_i32_0 = arith.constant 0 : i32
    return %arg0, %c0_i32 : i32, i32
  }
}

</mosaic_0001>

<sc_bundles>
// kernel: kernel.18.cloned.1.call-start
scs
__scs_entry_jumppad:
0x0: {  	(pc) =	sbr.rel $0x88, $3  }
0x1: {  	(tag) =	ssettag $0x0;
	lr =	simm.s32 $0x1  }
0x2: {  	[smem:$0x3F9D] =	sst lr;
	_ =	strace $0xD0000000  }
0x3: {  	_ = 	snop  }
0x4: {  	_ = 	snop  }
0x5: {  	_ = 	snop  }
0x6: {  	_ = 	snop  }
0x7: {  	_ = 	snop  }
__scs_overlays_trampoline_lowered:
0x8: {  	[smem:$0x3FAC] =	sst s0  }
0x9: {  	[smem:$0x3FAD] =	sst s1  }
0xa: {  	[smem:$0x3FAE] =	sst s2  }
0xb: {  	[smem:$0x3FAF] =	sst s3  }
0xc: {  	[smem:$0x3FB0] =	sst s4  }
0xd: {  	[smem:$0x3FB1] =	sst s5  }
0xe: {  	[smem:$0x3FB2] =	sst s6  }
0xf: {  	[smem:$0x3FB3] =	sst s7  }
0x10: {  	[smem:$0x3FB4] =	sst s8  }
0x11: {  	[smem:$0x3FB5] =	sst s9;
	s0 =	simm.s32 @!p0 $0x0  }
0x12: {  	s1 =	sld [smem:$0x3F9B];
	s0 =	simm.s32 @p0 $0x1  }
0x13: {  	[smem:$0x3FB6] =	sst s0;
	s0 =	simm.s32 @!p1 $0x0  }
0x14: {  	s2 =	sld [smem:$0x3F9A];
	s0 =	simm.s32 @p1 $0x1  }
0x15: {  	[smem:$0x3FB7] =	sst s0;
	s0 =	simm.s32 @!p2 $0x0  }
0x16: {  	s3 =	sld [smem:$0x3FDB];
	s0 =	simm.s32 @p2 $0x1  }
0x17: {  	s4 =	simm.s32 $0x1BF5;
	[smem:$0x3FB9] =	sst s0  }
0x18: {  	s0 =	sld [smem:$0x3F9C];
	_ =	swait.ge [sflag:s4], $0x0  }
0x19: {  	s7 =	sld [smem:$0x3F9D]  }
0x1a: {  	s8 =	sadd.s32 $0xFFFFE003, lr  }
0x1b: {  	s9 =	sadd.s32 $0xFFFFFEF7, lr;
	s5 =	simm.s32 $0xFFFFFFFF;
	p2 =	slt.u32 s8, $0xFFFFF086  }
0x1c: {  	p1 =	slt.u32 s9, $0xF7A;
	s5 =	simm.s32 @!p2 $0x0  }
0x1d: {  	s5 =	simm.s32 @p1 $0x1;
	p0 =	seq.s32 s7, s2  }
0x1e: {  	s7 =	smul.u32 @!p0 $0xF7A, s2;
	p2 =	seq.s32 @!p0 s5, $0x0  }
0x1f: {  	s9 =	smul.u32 $0xF7A, s1;
	s8 =	simm.s32 @!p0 $0x1BF5;
	p2 =	por !p2, p0  }
0x20: {  	[sflag:s8] =	ssyncset.s32 @!p0 $0xFFFFF086;
	s6 =	sadd.s32 @!p0 s3, s7;
	s7 =	simm.s32 @!p0 $0x108  }
0x21: {  	s3 =	sadd.s32 s3, s9;
	s6 =	sadd.s32 @!p0 $0x88, s6;
	s7 =	simm.s32 @p2 $0x1082  }
0x22: {  	[simem:s7], [sflag:s8] =	dma.local @!p0 [hbm:s6], $0xF7A  }
0x23: {  	s9 =	sor.u32 $0xD0000000, s2;
	s6 =	simm.s32 $0x108;
	_ =	swait.ge @!p0 [sflag:s8], $0x0  }
0x24: {  	s3 =	sadd.s32 $0x88, s3;
	s6 =	simm.s32 @!p1 $0x1082;
	[sflag:s4] =	ssyncset.s32 $0xFFFFF086  }
0x25: {  	[simem:s6], [sflag:s4] =	dma.local [hbm:s3], $0xF7A  }
0x26: {  	[smem:$0x3F9D] =	sst s1;
	(tag) =	ssettag s2;
	_ =	strace s9  }
0x27: {  	s1 =	sld [smem:$0x3FAD]  }
0x28: {  	s2 =	sld [smem:$0x3FAE]  }
0x29: {  	s4 =	sld [smem:$0x3FB0]  }
0x2a: {  	p0 =	seq.s32 s5, $0x0;
	s5 =	sld [smem:$0x3FB1]  }
0x2b: {  	s6 =	sld [smem:$0x3FB2]  }
0x2c: {  	s7 =	sld [smem:$0x3FB3]  }
0x2d: {  	s3 =	simm.s32 $0x108;
	s8 =	sld [smem:$0x3FB4]  }
0x2e: {  	s3 =	simm.s32 @!p0 $0x1082;
	s9 =	sld [smem:$0x3FB5]  }
0x2f: {  	lr =	sadd.s32 s0, s3;
	s0 =	sld [smem:$0x3FAC]  }
0x30: {  	s3 =	sld [smem:$0x3FAF]  }
0x31: {  	[smem:$0x3FB8] =	sst s10  }
0x32: {  	s10 =	sld [smem:$0x3FB6];
	_ =	sdelay $0x3  }
0x33: {  	p0 =	seq.s32 s10, $0x1;
	s10 =	sld [smem:$0x3FB8];
	_ =	sdelay $0x3  }
0x34: {  	[smem:$0x3FB8] =	sst s10  }
0x35: {  	s10 =	sld [smem:$0x3FB7];
	_ =	sdelay $0x3  }
0x36: {  	p1 =	seq.s32 s10, $0x1;
	s10 =	sld [smem:$0x3FB8];
	_ =	sdelay $0x3  }
0x37: {  	[smem:$0x3FB8] =	sst s10  }
0x38: {  	s10 =	sld [smem:$0x3FB9]  }
0x39: {  	_ = 	snop;
	(pc) =	sbr.ind lr, $3  }
0x3a: {  	_ = 	snop  }
0x3b: {  	_ = 	snop  }
0x3c: {  	p2 =	seq.s32 s10, $0x1;
	s10 =	sld [smem:$0x3FB8]  }
0x3d: {  	_ =	shalt  }
0x3e: {  	_ =	shalt  }
0x3f: {  	_ =	shalt  }
0x40: {  	_ =	shalt  }
0x41: {  	_ =	shalt  }
0x42: {  	_ =	shalt  }
0x43: {  	_ =	shalt  }
0x44: {  	_ =	shalt  }
0x45: {  	_ =	shalt  }
0x46: {  	_ =	shalt  }
0x47: {  	_ =	shalt  }
0x48: {  	_ =	shalt  }
0x49: {  	_ =	shalt  }
0x4a: {  	_ =	shalt  }
0x4b: {  	_ =	shalt  }
0x4c: {  	_ =	shalt  }
0x4d: {  	_ =	shalt  }
0x4e: {  	_ =	shalt  }
0x4f: {  	_ =	shalt  }
0x50: {  	_ =	shalt  }
0x51: {  	_ =	shalt  }
0x52: {  	_ =	shalt  }
0x53: {  	_ =	shalt  }
0x54: {  	_ =	shalt  }
0x55: {  	_ =	shalt  }
0x56: {  	_ =	shalt  }
0x57: {  	_ =	shalt  }
0x58: {  	_ =	shalt  }
0x59: {  	_ =	shalt  }
0x5a: {  	_ =	shalt  }
0x5b: {  	_ =	shalt  }
0x5c: {  	_ =	shalt  }
0x5d: {  	_ =	shalt  }
0x5e: {  	_ =	shalt  }
0x5f: {  	_ =	shalt  }
0x60: {  	_ =	shalt  }
0x61: {  	_ =	shalt  }
0x62: {  	_ =	shalt  }
0x63: {  	_ =	shalt  }
0x64: {  	_ =	shalt  }
0x65: {  	_ =	shalt  }
0x66: {  	_ =	shalt  }
0x67: {  	_ =	shalt  }
0x68: {  	_ =	shalt  }
0x69: {  	_ =	shalt  }
0x6a: {  	_ =	shalt  }
0x6b: {  	_ =	shalt  }
0x6c: {  	_ =	shalt  }
0x6d: {  	_ =	shalt  }
0x6e: {  	_ =	shalt  }
0x6f: {  	_ =	shalt  }
0x70: {  	_ =	shalt  }
0x71: {  	_ =	shalt  }
0x72: {  	_ =	shalt  }
0x73: {  	_ =	shalt  }
0x74: {  	_ =	shalt  }
0x75: {  	_ =	shalt  }
0x76: {  	_ =	shalt  }
0x77: {  	_ =	shalt  }
0x78: {  	_ =	shalt  }
0x79: {  	_ =	shalt  }
0x7a: {  	_ =	shalt  }
0x7b: {  	_ =	shalt  }
0x7c: {  	_ =	shalt  }
0x7d: {  	_ =	shalt  }
0x7e: {  	_ =	shalt  }
0x7f: {  	_ =	shalt  }
0x80: {  	_ =	shalt  }
0x81: {  	_ =	shalt  }
0x82: {  	_ =	shalt  }
0x83: {  	_ =	shalt  }
0x84: {  	_ =	shalt  }
0x85: {  	_ =	shalt  }
0x86: {  	_ =	shalt  }
0x87: {  	_ =	shalt  }
.Lfunc_end0:
.L_simem_size_0:
called_computation_lowered:
.L_overlay_start_0:
0x88: {  	s2 =	sld [smem:$0x3FD9]  }
0x89: {  	s3 =	sld [smem:$0x3FFE];
	_ =	sdelay $0x1  }
0x8a: {  	s1 =	srdreg.scid  }
0x8b: {  	s0 =	sand.u32 $0x1, s1  }
0x8c: {  	s17 =	sshll.u32 s0, $0xA;
	s2 =	sadd.s32 s3, s2  }
0x8d: {  	s2 =	sadd.s32 s2, s17  }
0x8e: {  	[smem:$0x3FC4] =	sst s2  }
0x8f: {  	_ = 	snop  }
0x90: {  	(tm) =	ssettm $0x1  }
0x91: {  	s18 =	sld [smem:$0x3FFB];
	_ =	sdelay $0x3  }
0x92: {  	_ =	strace s18  }
0x93: {  	s2 =	sld [smem:$0x3FFC];
	_ =	sdelay $0x3  }
0x94: {  	_ =	strace s2  }
0x95: {  	s2 =	sld [smem:$0x3FFD];
	_ =	sdelay $0x3  }
0x96: {  	_ =	strace s2  }
0x97: {  	_ =	strace $0x8FFFFFFF  }
0x98: {  	s19 =	sld [smem:$0x3FDB];
	_ =	sdelay $0x1  }
0x99: {  	s20 =	simm.s32 $_scs_section_size  }
0x9a: {  	s4 =	simm.s32 $_size__tile_overlayer_lowered;
	s5 =	simm.s32 $_tile_overlayer_lowered  }
0x9b: {  	s6 =	simm.s32 $0x1BFF;
	s21 =	sshll.u32 s5, $0x1;
	s3 =	sadd.s32 s20, s19  }
0x9c: {  	s22 =	simm.s32 $0x0;
	s4 =	sshll.u32 s4, $0x1;
	s5 =	sadd.s32 s21, s3  }
0x9d: {  	[timem:s22], [sflag:s6] =	dma.local [hbm:s5], s4  }
0x9e: {  	_ =	swait.ge [sflag:s6], s4  }
0x9f: {  	s4 =	ssub.s32 $0x0, s4;
	[sflag:s6] =	ssyncset.done $0x0  }
0xa0: {  	[sflag:s6] =	ssyncadd.s32 s4;
	_ =	sdelay $0x1  }
0xa1: {  	s23 =	simm.s32 $0x1B8B  }
0xa2: {  	_ =	swait.ge [sflag:s23], $0x1  }
0xa3: {  	[sflag:s23] =	ssyncset.done $0x0  }
0xa4: {  	[sflag:s23] =	ssyncadd.s32 $0xFFFFFFFF  }
0xa5: {  	s4 =	sld [smem:$0x0]  }
0xa6: {  	s5 =	sand.u32 $0xFFFFFFFE, s1  }
0xa7: {  	p0 =	sne.s32 s1, s5  }
0xa8: {  	s5 =	sshll.u32 @p0 s5, $0xE  }
0xa9: {  	s5 =	sadd.s32 @p0 $0x11B8D, s5;
	s6 =	sshll.u32 @p0 s4, $0x11  }
0xaa: {  	s5 =	sor.u32 @p0 s6, s5  }
0xab: {  	[sflag:s5] =	ssyncadd.remote.s32 @p0 $0x1;
	_ =	sdelay $0x1  }
0xac: {  	s5 =	simm.s32 @p0 $0x1B8D  }
0xad: {  	_ =	swait.eq @p0 [sflag:s5], $0x1  }
0xae: {  	[sflag:s5] =	ssyncadd.s32 @p0 $0xFFFFFFFF  }
0xaf: {  	s6 =	sshll.u32 @!p0 s1, $0xE  }
0xb0: {  	s6 =	sor.u32 @!p0 $0x4000, s6;
	s5 =	simm.s32 @!p0 $0x1B8D  }
0xb1: {  	s4 =	sshll.u32 @!p0 s4, $0x11;
	s6 =	sadd.s32 @!p0 $0x11B8D, s6;
	_ =	swait.eq @!p0 [sflag:s5], $0x1  }
0xb2: {  	s4 =	sor.u32 @!p0 s4, s6;
	[sflag:s5] =	ssyncadd.s32 @!p0 $0xFFFFFFFF  }
0xb3: {  	s25 =	simm.s32 $0x1B8E;
	s24 =	sld [smem:$0x3FFE];
	[sflag:s4] =	ssyncadd.remote.s32 @!p0 $0x1  }
0xb4: {  	s26 =	simm.s32 $execute0_lowered;
	[smem:$0x3FD2] =	sst s25  }
0xb5: {  	s5 =	sshll.u32 s26, $0x1;
	_ =	strace $0x8000004C;
	[dreg:$0x1] =	wrdreg $0xFFFFFFFF  }
0xb6: {  	s28 =	simm.s32 $_size_execute0_lowered;
	s3 =	sadd.s32 s3, s5;
	[dreg:$0x0] =	wrdreg $0x0  }
0xb7: {  	s5 =	sshll.u32 s28, $0x1;
	[dreg:$0x2] =	wrdreg s3  }
0xb8: {  	[dreg:$0x3] =	wrdreg s5  }
0xb9: {  	[dreg:$0x4] =	wrdreg $0xC0  }
0xba: {  	_ =	task [dreg:s22], $0x5FFFF  }
0xbb: {  	[dreg:$0x1] =	wrdreg $0xFFFFFFFF  }
0xbc: {  	[dreg:$0x0] =	wrdreg $0x60  }
0xbd: {  	[dreg:$0x2] =	wrdreg s24  }
0xbe: {  	[dreg:$0x3] =	wrdreg $0x9  }
0xbf: {  	_ =	task.clear_ibuf [dreg:s22], $0x4FFFF;
	_ =	strace $0x9000004C  }
0xc0: {  	s29 =	simm.s32 $0x9;
	_ =	strace $0x8000004E  }
0xc1: {  	_ =	swait.ge [sflag:s29], $0x1  }
0xc2: {  	[sflag:s29] =	ssyncadd.s32 $0xFFFFFFFF  }
0xc3: {  	_ =	strace $0x9000004E  }
0xc4: {  	_ =	sfence  }
0xc5: {  	s30 =	sld [smem:$0x0];
	_ =	sdelay $0x2  }
0xc6: {  	s31 =	sshll.u32 s1, $0xD;
	s1 =	sshrl.u32 s1, $0x2  }
0xc7: {  	s4 =	sand.u32 $0x4000, s31;
	s1 =	sadd.s32 s1, s30  }
0xc8: {  	s0 =	sor.u32 s4, s0;
	s1 =	sshll.u32 s1, $0x11  }
0xc9: {  	s0 =	sor.u32 s1, s0  }
0xca: {  	s0 =	sadd.s32 $0x8F2B, s0  }
0xcb: {  	[sflag:s0] =	ssyncadd.remote.s32 $0x1  }
0xcc: {  	_ =	sfence.sel $0xFFFF  }
0xcd: {  	[dreg:$0x0] =	wrdreg $0xFFFFFFFF;
	(pc) =	sbr.abs _section_cstart, $3  }
0xce: {  	[dreg:$0x1] =	wrdreg $0xFFFFFFFF  }
0xcf: {  	_ =	task.clear_ibuf [dreg:s22], $0x2FFFF;
	_ =	strace $0x9FFFFFFF  }
0xd0: {  	(tm) =	ssettm $0x7FFFFFFF  }
0xd1: {  	_ =	shalt  }
tec
execute0_lowered:
.L_overlay_start_1:
0x0: {  	(tag) =	ssettag $0x1  }
0x1: {  	s1 =	srdreg.scid  }
0x2: {  	s0 =	stileid.u32;
	s4 =	rddreg [dreg:$0x0]  }
0x3: {  	s2 =	simm.s32 $0x0;
	s13 =	simm.s32 $0x2;
	s14 =	simm.s32 $0x0  }
0x4: {  	s5 =	sand.u32 $0x1, s1;
	s1 =	rddreg [dreg:$0x1];
	s7 =	smul.u32 $0xA0000, s0  }
0x5: {  	s3 =	sshll.u32 s0, $0x1;
	[smem:$0x7FF] =	sst s2;
	s11 =	smul.u32 $0x14000, s0  }
0x6: {  	s12 =	sadd.s32 $0x2D4A00, s4;
	s3 =	sor.u32 s5, s3;
	s9 =	smul.u32 $0x50000, s5  }
0x7: {  	_ =	strace $0x8000004D;
	s8 =	ssub.s32 $0x2, s5;
	s29 =	smul.u32 $0xA000, s5  }
0x8: {  	s6 =	smul.u32 $0x180, s3;
	s3 =	sadd.s32 $0x2C1A00, s4;
	s10 =	sshrl.u32 s8, $0x1  }
0x9: {  	s31 =	sadd.s32 s11, s12;
	s11 =	simm.s32 $0x4C00;
	s8 =	ssub.s32 s8, s10  }
0xa: {  	s30 =	sadd.s32 s9, s7;
	s7 =	sadd.s32 s29, s31;
	s9 =	simm.s32 $0x80  }
0xb: {  	s10 =	simm.s32 $0xC00;
	s6 =	sadd.s32 s6, s4;
	s5 =	smax.u32 s8, $0x1  }
0xc: {  	s7 =	sadd.s32 $0x800, s7;
	s4 =	sadd.s32 $0x2D1A00, s6;
	s6 =	sshrl.u32 s30, $0x3  }
0xd: {  	s8 =	simm.s32 $0x3;
	s6 =	sadd.s32 s6, s12;
	s12 =	simm.s32 $0x1  }
.LBB2_1:
0xe: {  	[tilespmem:s2], [sflag:$0x3] =	stream.linear.gather [hbm4b:s4+s2], $0xA00, $0x38;
	[tilespmem:$0x8C00] =	vst v63  }
0xf: {  	_ =	swait.ge [sflag:s8], $0xA00  }
0x10: {  	[sflag:s8] =	ssyncset.done $0x0  }
0x11: {  	[sflag:s8] =	ssyncadd.s32 $0xFFFFF600  }
0x12: {  	[tilespmem:s10], [sflag:$0x1] =	stream.indirect.gather [hbm4b:s3+s9], $0x80, s2, s9, $0xb8;
	[tilespmem:$0x8C00] =	vst v63  }
0x13: {  	s15 =	simm.s32 $0x80  }
0x14: {  	[tilespmem:s11], [sflag:$0x2] =	stream.indirect.gather [hbm4b:s3+s9], $0x80, s15, s9, $0xb8;
	[tilespmem:$0x8C00] =	vst v63  }
0x15: {  	_ =	swait.ge [sflag:s12], $0x4000  }
0x16: {  	[sflag:s12] =	ssyncset.done $0x0  }
0x17: {  	s30 =	sadd.s32 $0x0, s6;
	[sflag:s12] =	ssyncadd.s32 $0xFFFFC000  }
0x18: {  	[hbm4b:s30+s2] =	stream.linear.scatter [tilespmem:s10], [sflag:$0x3], $0x4000, $0x38;
	[tilespmem:$0x8C00] =	vst v63  }
0x19: {  	_ =	swait.ge [sflag:s8], $0x4000  }
0x1a: {  	[sflag:s8] =	ssyncset.done $0x0  }
0x1b: {  	[sflag:s8] =	ssyncadd.s32 $0xFFFFC000  }
0x1c: {  	_ =	swait.ge [sflag:s13], $0x4000  }
0x1d: {  	[sflag:s13] =	ssyncset.done $0x0  }
0x1e: {  	s31 =	sadd.s32 $0x0, s7;
	[sflag:s13] =	ssyncadd.s32 $0xFFFFC000  }
0x1f: {  	[hbm4b:s31+s2] =	stream.linear.scatter [tilespmem:s11], [sflag:$0x3], $0x4000, $0x38;
	[tilespmem:$0x8C00] =	vst v63  }
0x20: {  	_ =	swait.ge [sflag:s8], $0x4000  }
0x21: {  	s16 =	simm.s32 $0x0;
	s15 =	simm.s32 $0x1000;
	[sflag:s8] =	ssyncset.done $0x0  }
.LBB2_2:
0x22: {  	p0 =	sne.s32 s15, $0x9000;
	[sflag:s8] =	ssyncadd.s32 $0xFFFFC000;
	s16 =	sadd.s32 $0x100, s16  }
0x23: {  	[tilespmem:s10], [sflag:$0x1] =	stream.indirect.gather [hbm4b:s3+s9], $0x80, s16, s9, $0xb8;
	[tilespmem:$0x8C00] =	vst v63  }
0x24: {  	s18 =	smov.u32 s15;
	s15 =	sadd.s32 $0x1000, s15;
	s17 =	sadd.s32 $0x80, s16  }
0x25: {  	[tilespmem:s11], [sflag:$0x2] =	stream.indirect.gather [hbm4b:s3+s9], $0x80, s17, s9, $0xb8;
	[tilespmem:$0x8C00] =	vst v63  }
0x26: {  	_ =	swait.ge [sflag:s12], $0x4000  }
0x27: {  	[sflag:s12] =	ssyncset.done $0x0  }
0x28: {  	s17 =	sadd.s32 s18, s6;
	[sflag:s12] =	ssyncadd.s32 $0xFFFFC000  }
0x29: {  	[hbm4b:s17+s2] =	stream.linear.scatter [tilespmem:s10], [sflag:$0x3], $0x4000, $0x38;
	[tilespmem:$0x8C00] =	vst v63  }
0x2a: {  	_ =	swait.ge [sflag:s8], $0x4000  }
0x2b: {  	[sflag:s8] =	ssyncset.done $0x0  }
0x2c: {  	[sflag:s8] =	ssyncadd.s32 $0xFFFFC000  }
0x2d: {  	_ =	swait.ge [sflag:s13], $0x4000  }
.Ltmp0:
0x2e: {  	[sflag:s13] =	ssyncset.done $0x0;
	(pc) =	sbr.rel @p0 .LBB2_2-.Ltmp0, $4  }
0x2f: {  	s17 =	sadd.s32 s18, s7;
	[sflag:s13] =	ssyncadd.s32 $0xFFFFC000  }
0x30: {  	[hbm4b:s17+s2] =	stream.linear.scatter [tilespmem:s11], [sflag:$0x3], $0x4000, $0x38;
	[tilespmem:$0x8C00] =	vst v63  }
0x31: {  	_ =	swait.ge [sflag:s8], $0x4000  }
0x32: {  	[sflag:s8] =	ssyncset.done $0x0  }
0x33: {  	s14 =	sadd.s32 $0x1, s14  }
0x34: {  	p0 =	sne.s32 s14, s5  }
.Ltmp1:
0x35: {  	_ = 	snop;
	(pc) =	sbr.rel @p0 .LBB2_1-.Ltmp1, $2  }
0x36: {  	_ =	sdelay $0x2  }
0x37: {  	[sflag:s8] =	ssyncadd.s32 $0xFFFFC000  }
0x38: {  	_ =	sfence.sel $0x180000  }
0x39: {  	[bflag:$0x0] =	sbarrier.arrive $0xFFFF  }
0x3a: {  	p0 =	sne.s32 s0, $0x0;
	_ =	strace $0x9000004D  }
0x3b: {  	s0 =	sadd.s32 @!p0 $0x100000, s1;
	[bflag:$0x2] =	sbarrier.arrive $0xFFFF  }
0x3c: {  	[sflag:s0] =	ssyncadd.tile.s32 @!p0 $0x1;
	_ =	shalt  }
.Lfunc_end2:
_tile_overlayer_lowered:
.L_overlay_start_2:
0x3d: {  	(tag) =	ssettag $0x2  }
0x3e: {  	s0 =	rddreg [dreg:$0x0];
	s2 =	stileid.u32  }
0x3f: {  	s1 =	rddreg [dreg:$0x1];
	p0 =	sne.s32 s2, $0x0  }
0x40: {  	s3 =	rddreg [dreg:$0x2];
	[bflag:$0x3] =	sbarrier.arrive $0xFFFF;
	s2 =	simm.s32 @!p0 $0x1C03  }
0x41: {  	[timem:s3], [sflag:s2] =	dma.local @!p0 [hbm:s0], s1  }
0x42: {  	s0 =	simm.s32 @!p0 $0x3  }
0x43: {  	_ =	swait.ge @!p0 [sflag:s0], s1  }
0x44: {  	s1 =	ssub.s32 @!p0 $0x0, s1;
	[sflag:s0] =	ssyncset.done @!p0 $0x0  }
0x45: {  	[sflag:s0] =	ssyncadd.s32 @!p0 s1  }
0x46: {  	[bflag:$0x3] =	sbarrier.arrive $0xFFFF  }
0x47: {  	_ =	shalt  }

// kernel: kernel.21.cloned.1.call-start
scs
__scs_entry_jumppad:
0x0: {  	(pc) =	sbr.rel $0x88, $3  }
0x1: {  	(tag) =	ssettag $0x0;
	lr =	simm.s32 $0x1  }
0x2: {  	[smem:$0x3F9D] =	sst lr;
	_ =	strace $0xD0000000  }
0x3: {  	_ = 	snop  }
0x4: {  	_ = 	snop  }
0x5: {  	_ = 	snop  }
0x6: {  	_ = 	snop  }
0x7: {  	_ = 	snop  }
__scs_overlays_trampoline_lowered:
0x8: {  	[smem:$0x3FAC] =	sst s0  }
0x9: {  	[smem:$0x3FAD] =	sst s1  }
0xa: {  	[smem:$0x3FAE] =	sst s2  }
0xb: {  	[smem:$0x3FAF] =	sst s3  }
0xc: {  	[smem:$0x3FB0] =	sst s4  }
0xd: {  	[smem:$0x3FB1] =	sst s5  }
0xe: {  	[smem:$0x3FB2] =	sst s6  }
0xf: {  	[smem:$0x3FB3] =	sst s7  }
0x10: {  	[smem:$0x3FB4] =	sst s8  }
0x11: {  	[smem:$0x3FB5] =	sst s9;
	s0 =	simm.s32 @!p0 $0x0  }
0x12: {  	s1 =	sld [smem:$0x3F9B];
	s0 =	simm.s32 @p0 $0x1  }
0x13: {  	[smem:$0x3FB6] =	sst s0;
	s0 =	simm.s32 @!p1 $0x0  }
0x14: {  	s2 =	sld [smem:$0x3F9A];
	s0 =	simm.s32 @p1 $0x1  }
0x15: {  	[smem:$0x3FB7] =	sst s0;
	s0 =	simm.s32 @!p2 $0x0  }
0x16: {  	s3 =	sld [smem:$0x3FDB];
	s0 =	simm.s32 @p2 $0x1  }
0x17: {  	s4 =	simm.s32 $0x1BF5;
	[smem:$0x3FB9] =	sst s0  }
0x18: {  	s0 =	sld [smem:$0x3F9C];
	_ =	swait.ge [sflag:s4], $0x0  }
0x19: {  	s7 =	sld [smem:$0x3F9D]  }
0x1a: {  	s8 =	sadd.s32 $0xFFFFE003, lr  }
0x1b: {  	s9 =	sadd.s32 $0xFFFFFEF7, lr;
	s5 =	simm.s32 $0xFFFFFFFF;
	p2 =	slt.u32 s8, $0xFFFFF086  }
0x1c: {  	p1 =	slt.u32 s9, $0xF7A;
	s5 =	simm.s32 @!p2 $0x0  }
0x1d: {  	s5 =	simm.s32 @p1 $0x1;
	p0 =	seq.s32 s7, s2  }
0x1e: {  	s7 =	smul.u32 @!p0 $0xF7A, s2;
	p2 =	seq.s32 @!p0 s5, $0x0  }
0x1f: {  	s9 =	smul.u32 $0xF7A, s1;
	s8 =	simm.s32 @!p0 $0x1BF5;
	p2 =	por !p2, p0  }
0x20: {  	[sflag:s8] =	ssyncset.s32 @!p0 $0xFFFFF086;
	s6 =	sadd.s32 @!p0 s3, s7;
	s7 =	simm.s32 @!p0 $0x108  }
0x21: {  	s3 =	sadd.s32 s3, s9;
	s6 =	sadd.s32 @!p0 $0x88, s6;
	s7 =	simm.s32 @p2 $0x1082  }
0x22: {  	[simem:s7], [sflag:s8] =	dma.local @!p0 [hbm:s6], $0xF7A  }
0x23: {  	s9 =	sor.u32 $0xD0000000, s2;
	s6 =	simm.s32 $0x108;
	_ =	swait.ge @!p0 [sflag:s8], $0x0  }
0x24: {  	s3 =	sadd.s32 $0x88, s3;
	s6 =	simm.s32 @!p1 $0x1082;
	[sflag:s4] =	ssyncset.s32 $0xFFFFF086  }
0x25: {  	[simem:s6], [sflag:s4] =	dma.local [hbm:s3], $0xF7A  }
0x26: {  	[smem:$0x3F9D] =	sst s1;
	(tag) =	ssettag s2;
	_ =	strace s9  }
0x27: {  	s1 =	sld [smem:$0x3FAD]  }
0x28: {  	s2 =	sld [smem:$0x3FAE]  }
0x29: {  	s4 =	sld [smem:$0x3FB0]  }
0x2a: {  	p0 =	seq.s32 s5, $0x0;
	s5 =	sld [smem:$0x3FB1]  }
0x2b: {  	s6 =	sld [smem:$0x3FB2]  }
0x2c: {  	s7 =	sld [smem:$0x3FB3]  }
0x2d: {  	s3 =	simm.s32 $0x108;
	s8 =	sld [smem:$0x3FB4]  }
0x2e: {  	s3 =	simm.s32 @!p0 $0x1082;
	s9 =	sld [smem:$0x3FB5]  }
0x2f: {  	lr =	sadd.s32 s0, s3;
	s0 =	sld [smem:$0x3FAC]  }
0x30: {  	s3 =	sld [smem:$0x3FAF]  }
0x31: {  	[smem:$0x3FB8] =	sst s10  }
0x32: {  	s10 =	sld [smem:$0x3FB6];
	_ =	sdelay $0x3  }
0x33: {  	p0 =	seq.s32 s10, $0x1;
	s10 =	sld [smem:$0x3FB8];
	_ =	sdelay $0x3  }
0x34: {  	[smem:$0x3FB8] =	sst s10  }
0x35: {  	s10 =	sld [smem:$0x3FB7];
	_ =	sdelay $0x3  }
0x36: {  	p1 =	seq.s32 s10, $0x1;
	s10 =	sld [smem:$0x3FB8];
	_ =	sdelay $0x3  }
0x37: {  	[smem:$0x3FB8] =	sst s10  }
0x38: {  	s10 =	sld [smem:$0x3FB9]  }
0x39: {  	_ = 	snop;
	(pc) =	sbr.ind lr, $3  }
0x3a: {  	_ = 	snop  }
0x3b: {  	_ = 	snop  }
0x3c: {  	p2 =	seq.s32 s10, $0x1;
	s10 =	sld [smem:$0x3FB8]  }
0x3d: {  	_ =	shalt  }
0x3e: {  	_ =	shalt  }
0x3f: {  	_ =	shalt  }
0x40: {  	_ =	shalt  }
0x41: {  	_ =	shalt  }
0x42: {  	_ =	shalt  }
0x43: {  	_ =	shalt  }
0x44: {  	_ =	shalt  }
0x45: {  	_ =	shalt  }
0x46: {  	_ =	shalt  }
0x47: {  	_ =	shalt  }
0x48: {  	_ =	shalt  }
0x49: {  	_ =	shalt  }
0x4a: {  	_ =	shalt  }
0x4b: {  	_ =	shalt  }
0x4c: {  	_ =	shalt  }
0x4d: {  	_ =	shalt  }
0x4e: {  	_ =	shalt  }
0x4f: {  	_ =	shalt  }
0x50: {  	_ =	shalt  }
0x51: {  	_ =	shalt  }
0x52: {  	_ =	shalt  }
0x53: {  	_ =	shalt  }
0x54: {  	_ =	shalt  }
0x55: {  	_ =	shalt  }
0x56: {  	_ =	shalt  }
0x57: {  	_ =	shalt  }
0x58: {  	_ =	shalt  }
0x59: {  	_ =	shalt  }
0x5a: {  	_ =	shalt  }
0x5b: {  	_ =	shalt  }
0x5c: {  	_ =	shalt  }
0x5d: {  	_ =	shalt  }
0x5e: {  	_ =	shalt  }
0x5f: {  	_ =	shalt  }
0x60: {  	_ =	shalt  }
0x61: {  	_ =	shalt  }
0x62: {  	_ =	shalt  }
0x63: {  	_ =	shalt  }
0x64: {  	_ =	shalt  }
0x65: {  	_ =	shalt  }
0x66: {  	_ =	shalt  }
0x67: {  	_ =	shalt  }
0x68: {  	_ =	shalt  }
0x69: {  	_ =	shalt  }
0x6a: {  	_ =	shalt  }
0x6b: {  	_ =	shalt  }
0x6c: {  	_ =	shalt  }
0x6d: {  	_ =	shalt  }
0x6e: {  	_ =	shalt  }
0x6f: {  	_ =	shalt  }
0x70: {  	_ =	shalt  }
0x71: {  	_ =	shalt  }
0x72: {  	_ =	shalt  }
0x73: {  	_ =	shalt  }
0x74: {  	_ =	shalt  }
0x75: {  	_ =	shalt  }
0x76: {  	_ =	shalt  }
0x77: {  	_ =	shalt  }
0x78: {  	_ =	shalt  }
0x79: {  	_ =	shalt  }
0x7a: {  	_ =	shalt  }
0x7b: {  	_ =	shalt  }
0x7c: {  	_ =	shalt  }
0x7d: {  	_ =	shalt  }
0x7e: {  	_ =	shalt  }
0x7f: {  	_ =	shalt  }
0x80: {  	_ =	shalt  }
0x81: {  	_ =	shalt  }
0x82: {  	_ =	shalt  }
0x83: {  	_ =	shalt  }
0x84: {  	_ =	shalt  }
0x85: {  	_ =	shalt  }
0x86: {  	_ =	shalt  }
0x87: {  	_ =	shalt  }
.Lfunc_end0:
.L_simem_size_0:
called_computation.1_lowered:
.L_overlay_start_0:
0x88: {  	s2 =	sld [smem:$0x3FD9]  }
0x89: {  	s3 =	sld [smem:$0x3FFE];
	_ =	sdelay $0x1  }
0x8a: {  	s1 =	srdreg.scid  }
0x8b: {  	s0 =	sand.u32 $0x1, s1  }
0x8c: {  	s17 =	sshll.u32 s0, $0xA;
	s2 =	sadd.s32 s3, s2  }
0x8d: {  	s2 =	sadd.s32 s2, s17  }
0x8e: {  	[smem:$0x3FC4] =	sst s2  }
0x8f: {  	_ = 	snop  }
0x90: {  	(tm) =	ssettm $0x1  }
0x91: {  	s18 =	sld [smem:$0x3FFB];
	_ =	sdelay $0x3  }
0x92: {  	_ =	strace s18  }
0x93: {  	s2 =	sld [smem:$0x3FFC];
	_ =	sdelay $0x3  }
0x94: {  	_ =	strace s2  }
0x95: {  	s2 =	sld [smem:$0x3FFD];
	_ =	sdelay $0x3  }
0x96: {  	_ =	strace s2  }
0x97: {  	_ =	strace $0x8FFFFFFF  }
0x98: {  	s19 =	sld [smem:$0x3FDB];
	_ =	sdelay $0x1  }
0x99: {  	s20 =	simm.s32 $_scs_section_size  }
0x9a: {  	s4 =	simm.s32 $_size__tile_overlayer_lowered;
	s5 =	simm.s32 $_tile_overlayer_lowered  }
0x9b: {  	s6 =	simm.s32 $0x1BFF;
	s21 =	sshll.u32 s5, $0x1;
	s3 =	sadd.s32 s20, s19  }
0x9c: {  	s22 =	simm.s32 $0x0;
	s4 =	sshll.u32 s4, $0x1;
	s5 =	sadd.s32 s21, s3  }
0x9d: {  	[timem:s22], [sflag:s6] =	dma.local [hbm:s5], s4  }
0x9e: {  	_ =	swait.ge [sflag:s6], s4  }
0x9f: {  	s4 =	ssub.s32 $0x0, s4;
	[sflag:s6] =	ssyncset.done $0x0  }
0xa0: {  	[sflag:s6] =	ssyncadd.s32 s4;
	_ =	sdelay $0x1  }
0xa1: {  	s23 =	simm.s32 $0x1B8B  }
0xa2: {  	_ =	swait.ge [sflag:s23], $0x1  }
0xa3: {  	[sflag:s23] =	ssyncset.done $0x0  }
0xa4: {  	[sflag:s23] =	ssyncadd.s32 $0xFFFFFFFF  }
0xa5: {  	s4 =	sld [smem:$0x0]  }
0xa6: {  	s5 =	sand.u32 $0xFFFFFFFE, s1  }
0xa7: {  	p0 =	sne.s32 s1, s5  }
0xa8: {  	s5 =	sshll.u32 @p0 s5, $0xE  }
0xa9: {  	s5 =	sadd.s32 @p0 $0x11B8D, s5;
	s6 =	sshll.u32 @p0 s4, $0x11  }
0xaa: {  	s5 =	sor.u32 @p0 s6, s5  }
0xab: {  	[sflag:s5] =	ssyncadd.remote.s32 @p0 $0x1;
	_ =	sdelay $0x1  }
0xac: {  	s5 =	simm.s32 @p0 $0x1B8D  }
0xad: {  	_ =	swait.eq @p0 [sflag:s5], $0x1  }
0xae: {  	[sflag:s5] =	ssyncadd.s32 @p0 $0xFFFFFFFF  }
0xaf: {  	s6 =	sshll.u32 @!p0 s1, $0xE  }
0xb0: {  	s6 =	sor.u32 @!p0 $0x4000, s6;
	s5 =	simm.s32 @!p0 $0x1B8D  }
0xb1: {  	s4 =	sshll.u32 @!p0 s4, $0x11;
	s6 =	sadd.s32 @!p0 $0x11B8D, s6;
	_ =	swait.eq @!p0 [sflag:s5], $0x1  }
0xb2: {  	s4 =	sor.u32 @!p0 s4, s6;
	[sflag:s5] =	ssyncadd.s32 @!p0 $0xFFFFFFFF  }
0xb3: {  	s25 =	simm.s32 $0x1B8E;
	s24 =	sld [smem:$0x3FFE];
	[sflag:s4] =	ssyncadd.remote.s32 @!p0 $0x1  }
0xb4: {  	s26 =	simm.s32 $execute0_lowered;
	[smem:$0x3FD2] =	sst s25  }
0xb5: {  	s5 =	sshll.u32 s26, $0x1;
	_ =	strace $0x8000004F;
	[dreg:$0x1] =	wrdreg $0xFFFFFFFF  }
0xb6: {  	s28 =	simm.s32 $_size_execute0_lowered;
	s3 =	sadd.s32 s3, s5;
	[dreg:$0x0] =	wrdreg $0x0  }
0xb7: {  	s5 =	sshll.u32 s28, $0x1;
	[dreg:$0x2] =	wrdreg s3  }
0xb8: {  	[dreg:$0x3] =	wrdreg s5  }
0xb9: {  	[dreg:$0x4] =	wrdreg $0xC0  }
0xba: {  	_ =	task [dreg:s22], $0x5FFFF  }
0xbb: {  	[dreg:$0x1] =	wrdreg $0xFFFFFFFF  }
0xbc: {  	[dreg:$0x0] =	wrdreg $0x60  }
0xbd: {  	[dreg:$0x2] =	wrdreg s24  }
0xbe: {  	[dreg:$0x3] =	wrdreg $0xA  }
0xbf: {  	_ =	task.clear_ibuf [dreg:s22], $0x4FFFF;
	_ =	strace $0x9000004F  }
0xc0: {  	s29 =	simm.s32 $0xA;
	_ =	strace $0x80000051  }
0xc1: {  	_ =	swait.ge [sflag:s29], $0x1  }
0xc2: {  	[sflag:s29] =	ssyncadd.s32 $0xFFFFFFFF  }
0xc3: {  	_ =	strace $0x90000051  }
0xc4: {  	_ =	sfence  }
0xc5: {  	s30 =	sld [smem:$0x0];
	_ =	sdelay $0x2  }
0xc6: {  	s31 =	sshll.u32 s1, $0xD;
	s1 =	sshrl.u32 s1, $0x2  }
0xc7: {  	s4 =	sand.u32 $0x4000, s31;
	s1 =	sadd.s32 s1, s30  }
0xc8: {  	s0 =	sor.u32 s4, s0;
	s1 =	sshll.u32 s1, $0x11  }
0xc9: {  	s0 =	sor.u32 s1, s0  }
0xca: {  	s0 =	sadd.s32 $0x8F2B, s0  }
0xcb: {  	[sflag:s0] =	ssyncadd.remote.s32 $0x1  }
0xcc: {  	_ =	sfence.sel $0xFFFF  }
0xcd: {  	[dreg:$0x0] =	wrdreg $0xFFFFFFFF;
	(pc) =	sbr.abs _section_cstart, $3  }
0xce: {  	[dreg:$0x1] =	wrdreg $0xFFFFFFFF  }
0xcf: {  	_ =	task.clear_ibuf [dreg:s22], $0x2FFFF;
	_ =	strace $0x9FFFFFFF  }
0xd0: {  	(tm) =	ssettm $0x7FFFFFFF  }
0xd1: {  	_ =	shalt  }
tec
execute0_lowered:
.L_overlay_start_1:
0x0: {  	(tag) =	ssettag $0x1  }
0x1: {  	s1 =	srdreg.scid  }
0x2: {  	s0 =	stileid.u32;
	s4 =	rddreg [dreg:$0x0]  }
0x3: {  	s2 =	simm.s32 $0x0;
	s13 =	simm.s32 $0x2;
	s14 =	simm.s32 $0x0  }
0x4: {  	s5 =	sand.u32 $0x1, s1;
	s1 =	rddreg [dreg:$0x1];
	s7 =	smul.u32 $0xA0000, s0  }
0x5: {  	s3 =	sshll.u32 s0, $0x1;
	[smem:$0x7FF] =	sst s2;
	s11 =	smul.u32 $0x14000, s0  }
0x6: {  	s12 =	sadd.s32 $0x424A00, s4;
	s3 =	sor.u32 s5, s3;
	s9 =	smul.u32 $0x50000, s5  }
0x7: {  	_ =	strace $0x80000050;
	s8 =	ssub.s32 $0x2, s5;
	s29 =	smul.u32 $0xA000, s5  }
0x8: {  	s6 =	smul.u32 $0x180, s3;
	s3 =	sadd.s32 $0x414A00, s4;
	s10 =	sshrl.u32 s8, $0x1  }
0x9: {  	s31 =	sadd.s32 s11, s12;
	s11 =	simm.s32 $0x4C00;
	s8 =	ssub.s32 s8, s10  }
0xa: {  	s30 =	sadd.s32 s9, s7;
	s7 =	sadd.s32 s29, s31;
	s9 =	simm.s32 $0x80  }
0xb: {  	s10 =	simm.s32 $0xC00;
	s6 =	sadd.s32 s6, s4;
	s5 =	smax.u32 s8, $0x1  }
0xc: {  	s7 =	sadd.s32 $0x800, s7;
	s4 =	sadd.s32 $0x3A00, s6;
	s6 =	sshrl.u32 s30, $0x3  }
0xd: {  	s8 =	simm.s32 $0x3;
	s6 =	sadd.s32 s6, s12;
	s12 =	simm.s32 $0x1  }
.LBB2_1:
0xe: {  	[tilespmem:s2], [sflag:$0x3] =	stream.linear.gather [hbm4b:s4+s2], $0xA00, $0x38;
	[tilespmem:$0x8C00] =	vst v63  }
0xf: {  	_ =	swait.ge [sflag:s8], $0xA00  }
0x10: {  	[sflag:s8] =	ssyncset.done $0x0  }
0x11: {  	[sflag:s8] =	ssyncadd.s32 $0xFFFFF600  }
0x12: {  	[tilespmem:s10], [sflag:$0x1] =	stream.indirect.gather [hbm4b:s3+s9], $0x80, s2, s9, $0xb8;
	[tilespmem:$0x8C00] =	vst v63  }
0x13: {  	s15 =	simm.s32 $0x80  }
0x14: {  	[tilespmem:s11], [sflag:$0x2] =	stream.indirect.gather [hbm4b:s3+s9], $0x80, s15, s9, $0xb8;
	[tilespmem:$0x8C00] =	vst v63  }
0x15: {  	_ =	swait.ge [sflag:s12], $0x4000  }
0x16: {  	[sflag:s12] =	ssyncset.done $0x0  }
0x17: {  	s30 =	sadd.s32 $0x0, s6;
	[sflag:s12] =	ssyncadd.s32 $0xFFFFC000  }
0x18: {  	[hbm4b:s30+s2] =	stream.linear.scatter [tilespmem:s10], [sflag:$0x3], $0x4000, $0x38;
	[tilespmem:$0x8C00] =	vst v63  }
0x19: {  	_ =	swait.ge [sflag:s8], $0x4000  }
0x1a: {  	[sflag:s8] =	ssyncset.done $0x0  }
0x1b: {  	[sflag:s8] =	ssyncadd.s32 $0xFFFFC000  }
0x1c: {  	_ =	swait.ge [sflag:s13], $0x4000  }
0x1d: {  	[sflag:s13] =	ssyncset.done $0x0  }
0x1e: {  	s31 =	sadd.s32 $0x0, s7;
	[sflag:s13] =	ssyncadd.s32 $0xFFFFC000  }
0x1f: {  	[hbm4b:s31+s2] =	stream.linear.scatter [tilespmem:s11], [sflag:$0x3], $0x4000, $0x38;
	[tilespmem:$0x8C00] =	vst v63  }
0x20: {  	_ =	swait.ge [sflag:s8], $0x4000  }
0x21: {  	s16 =	simm.s32 $0x0;
	s15 =	simm.s32 $0x1000;
	[sflag:s8] =	ssyncset.done $0x0  }
.LBB2_2:
0x22: {  	p0 =	sne.s32 s15, $0x9000;
	[sflag:s8] =	ssyncadd.s32 $0xFFFFC000;
	s16 =	sadd.s32 $0x100, s16  }
0x23: {  	[tilespmem:s10], [sflag:$0x1] =	stream.indirect.gather [hbm4b:s3+s9], $0x80, s16, s9, $0xb8;
	[tilespmem:$0x8C00] =	vst v63  }
0x24: {  	s18 =	smov.u32 s15;
	s15 =	sadd.s32 $0x1000, s15;
	s17 =	sadd.s32 $0x80, s16  }
0x25: {  	[tilespmem:s11], [sflag:$0x2] =	stream.indirect.gather [hbm4b:s3+s9], $0x80, s17, s9, $0xb8;
	[tilespmem:$0x8C00] =	vst v63  }
0x26: {  	_ =	swait.ge [sflag:s12], $0x4000  }
0x27: {  	[sflag:s12] =	ssyncset.done $0x0  }
0x28: {  	s17 =	sadd.s32 s18, s6;
	[sflag:s12] =	ssyncadd.s32 $0xFFFFC000  }
0x29: {  	[hbm4b:s17+s2] =	stream.linear.scatter [tilespmem:s10], [sflag:$0x3], $0x4000, $0x38;
	[tilespmem:$0x8C00] =	vst v63  }
0x2a: {  	_ =	swait.ge [sflag:s8], $0x4000  }
0x2b: {  	[sflag:s8] =	ssyncset.done $0x0  }
0x2c: {  	[sflag:s8] =	ssyncadd.s32 $0xFFFFC000  }
0x2d: {  	_ =	swait.ge [sflag:s13], $0x4000  }
.Ltmp0:
0x2e: {  	[sflag:s13] =	ssyncset.done $0x0;
	(pc) =	sbr.rel @p0 .LBB2_2-.Ltmp0, $4  }
0x2f: {  	s17 =	sadd.s32 s18, s7;
	[sflag:s13] =	ssyncadd.s32 $0xFFFFC000  }
0x30: {  	[hbm4b:s17+s2] =	stream.linear.scatter [tilespmem:s11], [sflag:$0x3], $0x4000, $0x38;
	[tilespmem:$0x8C00] =	vst v63  }
0x31: {  	_ =	swait.ge [sflag:s8], $0x4000  }
0x32: {  	[sflag:s8] =	ssyncset.done $0x0  }
0x33: {  	s14 =	sadd.s32 $0x1, s14  }
0x34: {  	p0 =	sne.s32 s14, s5  }
.Ltmp1:
0x35: {  	_ = 	snop;
	(pc) =	sbr.rel @p0 .LBB2_1-.Ltmp1, $2  }
0x36: {  	_ =	sdelay $0x2  }
0x37: {  	[sflag:s8] =	ssyncadd.s32 $0xFFFFC000  }
0x38: {  	_ =	sfence.sel $0x180000  }
0x39: {  	[bflag:$0x0] =	sbarrier.arrive $0xFFFF  }
0x3a: {  	p0 =	sne.s32 s0, $0x0;
	_ =	strace $0x90000050  }
0x3b: {  	s0 =	sadd.s32 @!p0 $0x100000, s1;
	[bflag:$0x2] =	sbarrier.arrive $0xFFFF  }
0x3c: {  	[sflag:s0] =	ssyncadd.tile.s32 @!p0 $0x1;
	_ =	shalt  }
.Lfunc_end2:
_tile_overlayer_lowered:
.L_overlay_start_2:
0x3d: {  	(tag) =	ssettag $0x2  }
0x3e: {  	s0 =	rddreg [dreg:$0x0];
	s2 =	stileid.u32  }
0x3f: {  	s1 =	rddreg [dreg:$0x1];
	p0 =	sne.s32 s2, $0x0  }
0x40: {  	s3 =	rddreg [dreg:$0x2];
	[bflag:$0x3] =	sbarrier.arrive $0xFFFF;
	s2 =	simm.s32 @!p0 $0x1C03  }
0x41: {  	[timem:s3], [sflag:s2] =	dma.local @!p0 [hbm:s0], s1  }
0x42: {  	s0 =	simm.s32 @!p0 $0x3  }
0x43: {  	_ =	swait.ge @!p0 [sflag:s0], s1  }
0x44: {  	s1 =	ssub.s32 @!p0 $0x0, s1;
	[sflag:s0] =	ssyncset.done @!p0 $0x0  }
0x45: {  	[sflag:s0] =	ssyncadd.s32 @!p0 s1  }
0x46: {  	[bflag:$0x3] =	sbarrier.arrive $0xFFFF  }
0x47: {  	_ =	shalt  }

// kernel: kernel.24.cloned.1.call-start
scs
__scs_entry_jumppad:
0x0: {  	(pc) =	sbr.rel $0x88, $3  }
0x1: {  	(tag) =	ssettag $0x0;
	lr =	simm.s32 $0x1  }
0x2: {  	[smem:$0x3F9D] =	sst lr;
	_ =	strace $0xD0000000  }
0x3: {  	_ = 	snop  }
0x4: {  	_ = 	snop  }
0x5: {  	_ = 	snop  }
0x6: {  	_ = 	snop  }
0x7: {  	_ = 	snop  }
__scs_overlays_trampoline_lowered:
0x8: {  	[smem:$0x3FAC] =	sst s0  }
0x9: {  	[smem:$0x3FAD] =	sst s1  }
0xa: {  	[smem:$0x3FAE] =	sst s2  }
0xb: {  	[smem:$0x3FAF] =	sst s3  }
0xc: {  	[smem:$0x3FB0] =	sst s4  }
0xd: {  	[smem:$0x3FB1] =	sst s5  }
0xe: {  	[smem:$0x3FB2] =	sst s6  }
0xf: {  	[smem:$0x3FB3] =	sst s7  }
0x10: {  	[smem:$0x3FB4] =	sst s8  }
0x11: {  	[smem:$0x3FB5] =	sst s9;
	s0 =	simm.s32 @!p0 $0x0  }
0x12: {  	s1 =	sld [smem:$0x3F9B];
	s0 =	simm.s32 @p0 $0x1  }
0x13: {  	[smem:$0x3FB6] =	sst s0;
	s0 =	simm.s32 @!p1 $0x0  }
0x14: {  	s2 =	sld [smem:$0x3F9A];
	s0 =	simm.s32 @p1 $0x1  }
0x15: {  	[smem:$0x3FB7] =	sst s0;
	s0 =	simm.s32 @!p2 $0x0  }
0x16: {  	s3 =	sld [smem:$0x3FDB];
	s0 =	simm.s32 @p2 $0x1  }
0x17: {  	s4 =	simm.s32 $0x1BF5;
	[smem:$0x3FB9] =	sst s0  }
0x18: {  	s0 =	sld [smem:$0x3F9C];
	_ =	swait.ge [sflag:s4], $0x0  }
0x19: {  	s7 =	sld [smem:$0x3F9D]  }
0x1a: {  	s8 =	sadd.s32 $0xFFFFE003, lr  }
0x1b: {  	s9 =	sadd.s32 $0xFFFFFEF7, lr;
	s5 =	simm.s32 $0xFFFFFFFF;
	p2 =	slt.u32 s8, $0xFFFFF086  }
0x1c: {  	p1 =	slt.u32 s9, $0xF7A;
	s5 =	simm.s32 @!p2 $0x0  }
0x1d: {  	s5 =	simm.s32 @p1 $0x1;
	p0 =	seq.s32 s7, s2  }
0x1e: {  	s7 =	smul.u32 @!p0 $0xF7A, s2;
	p2 =	seq.s32 @!p0 s5, $0x0  }
0x1f: {  	s9 =	smul.u32 $0xF7A, s1;
	s8 =	simm.s32 @!p0 $0x1BF5;
	p2 =	por !p2, p0  }
0x20: {  	[sflag:s8] =	ssyncset.s32 @!p0 $0xFFFFF086;
	s6 =	sadd.s32 @!p0 s3, s7;
	s7 =	simm.s32 @!p0 $0x108  }
0x21: {  	s3 =	sadd.s32 s3, s9;
	s6 =	sadd.s32 @!p0 $0x88, s6;
	s7 =	simm.s32 @p2 $0x1082  }
0x22: {  	[simem:s7], [sflag:s8] =	dma.local @!p0 [hbm:s6], $0xF7A  }
0x23: {  	s9 =	sor.u32 $0xD0000000, s2;
	s6 =	simm.s32 $0x108;
	_ =	swait.ge @!p0 [sflag:s8], $0x0  }
0x24: {  	s3 =	sadd.s32 $0x88, s3;
	s6 =	simm.s32 @!p1 $0x1082;
	[sflag:s4] =	ssyncset.s32 $0xFFFFF086  }
0x25: {  	[simem:s6], [sflag:s4] =	dma.local [hbm:s3], $0xF7A  }
0x26: {  	[smem:$0x3F9D] =	sst s1;
	(tag) =	ssettag s2;
	_ =	strace s9  }
0x27: {  	s1 =	sld [smem:$0x3FAD]  }
0x28: {  	s2 =	sld [smem:$0x3FAE]  }
0x29: {  	s4 =	sld [smem:$0x3FB0]  }
0x2a: {  	p0 =	seq.s32 s5, $0x0;
	s5 =	sld [smem:$0x3FB1]  }
0x2b: {  	s6 =	sld [smem:$0x3FB2]  }
0x2c: {  	s7 =	sld [smem:$0x3FB3]  }
0x2d: {  	s3 =	simm.s32 $0x108;
	s8 =	sld [smem:$0x3FB4]  }
0x2e: {  	s3 =	simm.s32 @!p0 $0x1082;
	s9 =	sld [smem:$0x3FB5]  }
0x2f: {  	lr =	sadd.s32 s0, s3;
	s0 =	sld [smem:$0x3FAC]  }
0x30: {  	s3 =	sld [smem:$0x3FAF]  }
0x31: {  	[smem:$0x3FB8] =	sst s10  }
0x32: {  	s10 =	sld [smem:$0x3FB6];
	_ =	sdelay $0x3  }
0x33: {  	p0 =	seq.s32 s10, $0x1;
	s10 =	sld [smem:$0x3FB8];
	_ =	sdelay $0x3  }
0x34: {  	[smem:$0x3FB8] =	sst s10  }
0x35: {  	s10 =	sld [smem:$0x3FB7];
	_ =	sdelay $0x3  }
0x36: {  	p1 =	seq.s32 s10, $0x1;
	s10 =	sld [smem:$0x3FB8];
	_ =	sdelay $0x3  }
0x37: {  	[smem:$0x3FB8] =	sst s10  }
0x38: {  	s10 =	sld [smem:$0x3FB9]  }
0x39: {  	_ = 	snop;
	(pc) =	sbr.ind lr, $3  }
0x3a: {  	_ = 	snop  }
0x3b: {  	_ = 	snop  }
0x3c: {  	p2 =	seq.s32 s10, $0x1;
	s10 =	sld [smem:$0x3FB8]  }
0x3d: {  	_ =	shalt  }
0x3e: {  	_ =	shalt  }
0x3f: {  	_ =	shalt  }
0x40: {  	_ =	shalt  }
0x41: {  	_ =	shalt  }
0x42: {  	_ =	shalt  }
0x43: {  	_ =	shalt  }
0x44: {  	_ =	shalt  }
0x45: {  	_ =	shalt  }
0x46: {  	_ =	shalt  }
0x47: {  	_ =	shalt  }
0x48: {  	_ =	shalt  }
0x49: {  	_ =	shalt  }
0x4a: {  	_ =	shalt  }
0x4b: {  	_ =	shalt  }
0x4c: {  	_ =	shalt  }
0x4d: {  	_ =	shalt  }
0x4e: {  	_ =	shalt  }
0x4f: {  	_ =	shalt  }
0x50: {  	_ =	shalt  }
0x51: {  	_ =	shalt  }
0x52: {  	_ =	shalt  }
0x53: {  	_ =	shalt  }
0x54: {  	_ =	shalt  }
0x55: {  	_ =	shalt  }
0x56: {  	_ =	shalt  }
0x57: {  	_ =	shalt  }
0x58: {  	_ =	shalt  }
0x59: {  	_ =	shalt  }
0x5a: {  	_ =	shalt  }
0x5b: {  	_ =	shalt  }
0x5c: {  	_ =	shalt  }
0x5d: {  	_ =	shalt  }
0x5e: {  	_ =	shalt  }
0x5f: {  	_ =	shalt  }
0x60: {  	_ =	shalt  }
0x61: {  	_ =	shalt  }
0x62: {  	_ =	shalt  }
0x63: {  	_ =	shalt  }
0x64: {  	_ =	shalt  }
0x65: {  	_ =	shalt  }
0x66: {  	_ =	shalt  }
0x67: {  	_ =	shalt  }
0x68: {  	_ =	shalt  }
0x69: {  	_ =	shalt  }
0x6a: {  	_ =	shalt  }
0x6b: {  	_ =	shalt  }
0x6c: {  	_ =	shalt  }
0x6d: {  	_ =	shalt  }
0x6e: {  	_ =	shalt  }
0x6f: {  	_ =	shalt  }
0x70: {  	_ =	shalt  }
0x71: {  	_ =	shalt  }
0x72: {  	_ =	shalt  }
0x73: {  	_ =	shalt  }
0x74: {  	_ =	shalt  }
0x75: {  	_ =	shalt  }
0x76: {  	_ =	shalt  }
0x77: {  	_ =	shalt  }
0x78: {  	_ =	shalt  }
0x79: {  	_ =	shalt  }
0x7a: {  	_ =	shalt  }
0x7b: {  	_ =	shalt  }
0x7c: {  	_ =	shalt  }
0x7d: {  	_ =	shalt  }
0x7e: {  	_ =	shalt  }
0x7f: {  	_ =	shalt  }
0x80: {  	_ =	shalt  }
0x81: {  	_ =	shalt  }
0x82: {  	_ =	shalt  }
0x83: {  	_ =	shalt  }
0x84: {  	_ =	shalt  }
0x85: {  	_ =	shalt  }
0x86: {  	_ =	shalt  }
0x87: {  	_ =	shalt  }
.Lfunc_end0:
.L_simem_size_0:
called_computation.2_lowered:
.L_overlay_start_0:
0x88: {  	s2 =	sld [smem:$0x3FD9]  }
0x89: {  	s3 =	sld [smem:$0x3FFE];
	_ =	sdelay $0x1  }
0x8a: {  	s1 =	srdreg.scid  }
0x8b: {  	s0 =	sand.u32 $0x1, s1  }
0x8c: {  	s17 =	sshll.u32 s0, $0xA;
	s2 =	sadd.s32 s3, s2  }
0x8d: {  	s2 =	sadd.s32 s2, s17  }
0x8e: {  	[smem:$0x3FC4] =	sst s2  }
0x8f: {  	_ = 	snop  }
0x90: {  	(tm) =	ssettm $0x1  }
0x91: {  	s18 =	sld [smem:$0x3FFB];
	_ =	sdelay $0x3  }
0x92: {  	_ =	strace s18  }
0x93: {  	s2 =	sld [smem:$0x3FFC];
	_ =	sdelay $0x3  }
0x94: {  	_ =	strace s2  }
0x95: {  	s2 =	sld [smem:$0x3FFD];
	_ =	sdelay $0x3  }
0x96: {  	_ =	strace s2  }
0x97: {  	_ =	strace $0x8FFFFFFF  }
0x98: {  	s19 =	sld [smem:$0x3FDB];
	_ =	sdelay $0x1  }
0x99: {  	s20 =	simm.s32 $_scs_section_size  }
0x9a: {  	s4 =	simm.s32 $_size__tile_overlayer_lowered;
	s5 =	simm.s32 $_tile_overlayer_lowered  }
0x9b: {  	s6 =	simm.s32 $0x1BFF;
	s21 =	sshll.u32 s5, $0x1;
	s3 =	sadd.s32 s20, s19  }
0x9c: {  	s22 =	simm.s32 $0x0;
	s4 =	sshll.u32 s4, $0x1;
	s5 =	sadd.s32 s21, s3  }
0x9d: {  	[timem:s22], [sflag:s6] =	dma.local [hbm:s5], s4  }
0x9e: {  	_ =	swait.ge [sflag:s6], s4  }
0x9f: {  	s4 =	ssub.s32 $0x0, s4;
	[sflag:s6] =	ssyncset.done $0x0  }
0xa0: {  	[sflag:s6] =	ssyncadd.s32 s4;
	_ =	sdelay $0x1  }
0xa1: {  	s23 =	simm.s32 $0x1B8B  }
0xa2: {  	_ =	swait.ge [sflag:s23], $0x1  }
0xa3: {  	[sflag:s23] =	ssyncset.done $0x0  }
0xa4: {  	[sflag:s23] =	ssyncadd.s32 $0xFFFFFFFF  }
0xa5: {  	s4 =	sld [smem:$0x0]  }
0xa6: {  	s5 =	sand.u32 $0xFFFFFFFE, s1  }
0xa7: {  	p0 =	sne.s32 s1, s5  }
0xa8: {  	s5 =	sshll.u32 @p0 s5, $0xE  }
0xa9: {  	s5 =	sadd.s32 @p0 $0x11B8D, s5;
	s6 =	sshll.u32 @p0 s4, $0x11  }
0xaa: {  	s5 =	sor.u32 @p0 s6, s5  }
0xab: {  	[sflag:s5] =	ssyncadd.remote.s32 @p0 $0x1;
	_ =	sdelay $0x1  }
0xac: {  	s5 =	simm.s32 @p0 $0x1B8D  }
0xad: {  	_ =	swait.eq @p0 [sflag:s5], $0x1  }
0xae: {  	[sflag:s5] =	ssyncadd.s32 @p0 $0xFFFFFFFF  }
0xaf: {  	s6 =	sshll.u32 @!p0 s1, $0xE  }
0xb0: {  	s6 =	sor.u32 @!p0 $0x4000, s6;
	s5 =	simm.s32 @!p0 $0x1B8D  }
0xb1: {  	s4 =	sshll.u32 @!p0 s4, $0x11;
	s6 =	sadd.s32 @!p0 $0x11B8D, s6;
	_ =	swait.eq @!p0 [sflag:s5], $0x1  }
0xb2: {  	s4 =	sor.u32 @!p0 s4, s6;
	[sflag:s5] =	ssyncadd.s32 @!p0 $0xFFFFFFFF  }
0xb3: {  	s25 =	simm.s32 $0x1B8E;
	s24 =	sld [smem:$0x3FFE];
	[sflag:s4] =	ssyncadd.remote.s32 @!p0 $0x1  }
0xb4: {  	s26 =	simm.s32 $execute0_lowered;
	[smem:$0x3FD2] =	sst s25  }
0xb5: {  	s5 =	sshll.u32 s26, $0x1;
	_ =	strace $0x80000049;
	[dreg:$0x1] =	wrdreg $0xFFFFFFFF  }
0xb6: {  	s28 =	simm.s32 $_size_execute0_lowered;
	s3 =	sadd.s32 s3, s5;
	[dreg:$0x0] =	wrdreg $0x0  }
0xb7: {  	s5 =	sshll.u32 s28, $0x1;
	[dreg:$0x2] =	wrdreg s3  }
0xb8: {  	[dreg:$0x3] =	wrdreg s5  }
0xb9: {  	[dreg:$0x4] =	wrdreg $0xC0  }
0xba: {  	_ =	task [dreg:s22], $0x5FFFF  }
0xbb: {  	[dreg:$0x1] =	wrdreg $0xFFFFFFFF  }
0xbc: {  	[dreg:$0x0] =	wrdreg $0x60  }
0xbd: {  	[dreg:$0x2] =	wrdreg s24  }
0xbe: {  	[dreg:$0x3] =	wrdreg $0xB  }
0xbf: {  	_ =	task.clear_ibuf [dreg:s22], $0x4FFFF;
	_ =	strace $0x90000049  }
0xc0: {  	s29 =	simm.s32 $0xB;
	_ =	strace $0x8000004B  }
0xc1: {  	_ =	swait.ge [sflag:s29], $0x1  }
0xc2: {  	[sflag:s29] =	ssyncadd.s32 $0xFFFFFFFF  }
0xc3: {  	_ =	strace $0x9000004B  }
0xc4: {  	_ =	sfence  }
0xc5: {  	s30 =	sld [smem:$0x0];
	_ =	sdelay $0x2  }
0xc6: {  	s31 =	sshll.u32 s1, $0xD;
	s1 =	sshrl.u32 s1, $0x2  }
0xc7: {  	s4 =	sand.u32 $0x4000, s31;
	s1 =	sadd.s32 s1, s30  }
0xc8: {  	s0 =	sor.u32 s4, s0;
	s1 =	sshll.u32 s1, $0x11  }
0xc9: {  	s0 =	sor.u32 s1, s0  }
0xca: {  	s0 =	sadd.s32 $0x8F2B, s0  }
0xcb: {  	[sflag:s0] =	ssyncadd.remote.s32 $0x1  }
0xcc: {  	_ =	sfence.sel $0xFFFF  }
0xcd: {  	[dreg:$0x0] =	wrdreg $0xFFFFFFFF;
	(pc) =	sbr.abs _section_cstart, $3  }
0xce: {  	[dreg:$0x1] =	wrdreg $0xFFFFFFFF  }
0xcf: {  	_ =	task.clear_ibuf [dreg:s22], $0x2FFFF;
	_ =	strace $0x9FFFFFFF  }
0xd0: {  	(tm) =	ssettm $0x7FFFFFFF  }
0xd1: {  	_ =	shalt  }
tec
execute0_lowered:
.L_overlay_start_1:
0x0: {  	(tag) =	ssettag $0x1  }
0x1: {  	s1 =	srdreg.scid  }
0x2: {  	s0 =	stileid.u32;
	s4 =	rddreg [dreg:$0x0]  }
0x3: {  	s2 =	simm.s32 $0x0;
	s13 =	simm.s32 $0x2;
	s14 =	simm.s32 $0x0  }
0x4: {  	s5 =	sand.u32 $0x1, s1;
	s1 =	rddreg [dreg:$0x1];
	s7 =	smul.u32 $0xA0000, s0  }
0x5: {  	s3 =	sshll.u32 s0, $0x1;
	[smem:$0x7FF] =	sst s2;
	s11 =	smul.u32 $0x14000, s0  }
0x6: {  	s12 =	sadd.s32 $0x181A00, s4;
	s3 =	sor.u32 s5, s3;
	s9 =	smul.u32 $0x50000, s5  }
0x7: {  	_ =	strace $0x8000004A;
	s8 =	ssub.s32 $0x2, s5;
	s29 =	smul.u32 $0xA000, s5  }
0x8: {  	s6 =	smul.u32 $0x180, s3;
	s3 =	sadd.s32 $0x15EA00, s4;
	s10 =	sshrl.u32 s8, $0x1  }
0x9: {  	s31 =	sadd.s32 s11, s12;
	s11 =	simm.s32 $0x4C00;
	s8 =	ssub.s32 s8, s10  }
0xa: {  	s30 =	sadd.s32 s9, s7;
	s7 =	sadd.s32 s29, s31;
	s9 =	simm.s32 $0x80  }
0xb: {  	s10 =	simm.s32 $0xC00;
	s6 =	sadd.s32 s6, s4;
	s5 =	smax.u32 s8, $0x1  }
0xc: {  	s7 =	sadd.s32 $0x800, s7;
	s4 =	sadd.s32 $0x17EA00, s6;
	s6 =	sshrl.u32 s30, $0x3  }
0xd: {  	s8 =	simm.s32 $0x3;
	s6 =	sadd.s32 s6, s12;
	s12 =	simm.s32 $0x1  }
.LBB2_1:
0xe: {  	[tilespmem:s2], [sflag:$0x3] =	stream.linear.gather [hbm4b:s4+s2], $0xA00, $0x38;
	[tilespmem:$0x8C00] =	vst v63  }
0xf: {  	_ =	swait.ge [sflag:s8], $0xA00  }
0x10: {  	[sflag:s8] =	ssyncset.done $0x0  }
0x11: {  	[sflag:s8] =	ssyncadd.s32 $0xFFFFF600  }
0x12: {  	[tilespmem:s10], [sflag:$0x1] =	stream.indirect.gather [hbm4b:s3+s9], $0x80, s2, s9, $0xb8;
	[tilespmem:$0x8C00] =	vst v63  }
0x13: {  	s15 =	simm.s32 $0x80  }
0x14: {  	[tilespmem:s11], [sflag:$0x2] =	stream.indirect.gather [hbm4b:s3+s9], $0x80, s15, s9, $0xb8;
	[tilespmem:$0x8C00] =	vst v63  }
0x15: {  	_ =	swait.ge [sflag:s12], $0x4000  }
0x16: {  	[sflag:s12] =	ssyncset.done $0x0  }
0x17: {  	s30 =	sadd.s32 $0x0, s6;
	[sflag:s12] =	ssyncadd.s32 $0xFFFFC000  }
0x18: {  	[hbm4b:s30+s2] =	stream.linear.scatter [tilespmem:s10], [sflag:$0x3], $0x4000, $0x38;
	[tilespmem:$0x8C00] =	vst v63  }
0x19: {  	_ =	swait.ge [sflag:s8], $0x4000  }
0x1a: {  	[sflag:s8] =	ssyncset.done $0x0  }
0x1b: {  	[sflag:s8] =	ssyncadd.s32 $0xFFFFC000  }
0x1c: {  	_ =	swait.ge [sflag:s13], $0x4000  }
0x1d: {  	[sflag:s13] =	ssyncset.done $0x0  }
0x1e: {  	s31 =	sadd.s32 $0x0, s7;
	[sflag:s13] =	ssyncadd.s32 $0xFFFFC000  }
0x1f: {  	[hbm4b:s31+s2] =	stream.linear.scatter [tilespmem:s11], [sflag:$0x3], $0x4000, $0x38;
	[tilespmem:$0x8C00] =	vst v63  }
0x20: {  	_ =	swait.ge [sflag:s8], $0x4000  }
0x21: {  	s16 =	simm.s32 $0x0;
	s15 =	simm.s32 $0x1000;
	[sflag:s8] =	ssyncset.done $0x0  }
.LBB2_2:
0x22: {  	p0 =	sne.s32 s15, $0x9000;
	[sflag:s8] =	ssyncadd.s32 $0xFFFFC000;
	s16 =	sadd.s32 $0x100, s16  }
0x23: {  	[tilespmem:s10], [sflag:$0x1] =	stream.indirect.gather [hbm4b:s3+s9], $0x80, s16, s9, $0xb8;
	[tilespmem:$0x8C00] =	vst v63  }
0x24: {  	s18 =	smov.u32 s15;
	s15 =	sadd.s32 $0x1000, s15;
	s17 =	sadd.s32 $0x80, s16  }
0x25: {  	[tilespmem:s11], [sflag:$0x2] =	stream.indirect.gather [hbm4b:s3+s9], $0x80, s17, s9, $0xb8;
	[tilespmem:$0x8C00] =	vst v63  }
0x26: {  	_ =	swait.ge [sflag:s12], $0x4000  }
0x27: {  	[sflag:s12] =	ssyncset.done $0x0  }
0x28: {  	s17 =	sadd.s32 s18, s6;
	[sflag:s12] =	ssyncadd.s32 $0xFFFFC000  }
0x29: {  	[hbm4b:s17+s2] =	stream.linear.scatter [tilespmem:s10], [sflag:$0x3], $0x4000, $0x38;
	[tilespmem:$0x8C00] =	vst v63  }
0x2a: {  	_ =	swait.ge [sflag:s8], $0x4000  }
0x2b: {  	[sflag:s8] =	ssyncset.done $0x0  }
0x2c: {  	[sflag:s8] =	ssyncadd.s32 $0xFFFFC000  }
0x2d: {  	_ =	swait.ge [sflag:s13], $0x4000  }
.Ltmp0:
0x2e: {  	[sflag:s13] =	ssyncset.done $0x0;
	(pc) =	sbr.rel @p0 .LBB2_2-.Ltmp0, $4  }
0x2f: {  	s17 =	sadd.s32 s18, s7;
	[sflag:s13] =	ssyncadd.s32 $0xFFFFC000  }
0x30: {  	[hbm4b:s17+s2] =	stream.linear.scatter [tilespmem:s11], [sflag:$0x3], $0x4000, $0x38;
	[tilespmem:$0x8C00] =	vst v63  }
0x31: {  	_ =	swait.ge [sflag:s8], $0x4000  }
0x32: {  	[sflag:s8] =	ssyncset.done $0x0  }
0x33: {  	s14 =	sadd.s32 $0x1, s14  }
0x34: {  	p0 =	sne.s32 s14, s5  }
.Ltmp1:
0x35: {  	_ = 	snop;
	(pc) =	sbr.rel @p0 .LBB2_1-.Ltmp1, $2  }
0x36: {  	_ =	sdelay $0x2  }
0x37: {  	[sflag:s8] =	ssyncadd.s32 $0xFFFFC000  }
0x38: {  	_ =	sfence.sel $0x180000  }
0x39: {  	[bflag:$0x0] =	sbarrier.arrive $0xFFFF  }
0x3a: {  	p0 =	sne.s32 s0, $0x0;
	_ =	strace $0x9000004A  }
0x3b: {  	s0 =	sadd.s32 @!p0 $0x100000, s1;
	[bflag:$0x2] =	sbarrier.arrive $0xFFFF  }
0x3c: {  	[sflag:s0] =	ssyncadd.tile.s32 @!p0 $0x1;
	_ =	shalt  }
.Lfunc_end2:
_tile_overlayer_lowered:
.L_overlay_start_2:
0x3d: {  	(tag) =	ssettag $0x2  }
0x3e: {  	s0 =	rddreg [dreg:$0x0];
	s2 =	stileid.u32  }
0x3f: {  	s1 =	rddreg [dreg:$0x1];
	p0 =	sne.s32 s2, $0x0  }
0x40: {  	s3 =	rddreg [dreg:$0x2];
	[bflag:$0x3] =	sbarrier.arrive $0xFFFF;
	s2 =	simm.s32 @!p0 $0x1C03  }
0x41: {  	[timem:s3], [sflag:s2] =	dma.local @!p0 [hbm:s0], s1  }
0x42: {  	s0 =	simm.s32 @!p0 $0x3  }
0x43: {  	_ =	swait.ge @!p0 [sflag:s0], s1  }
0x44: {  	s1 =	ssub.s32 @!p0 $0x0, s1;
	[sflag:s0] =	ssyncset.done @!p0 $0x0  }
0x45: {  	[sflag:s0] =	ssyncadd.s32 @!p0 s1  }
0x46: {  	[bflag:$0x3] =	sbarrier.arrive $0xFFFF  }
0x47: {  	_ =	shalt  }

// kernel: kernel.27.cloned.1.call-start
scs
__scs_entry_jumppad:
0x0: {  	(pc) =	sbr.rel $0x88, $3  }
0x1: {  	(tag) =	ssettag $0x0;
	lr =	simm.s32 $0x1  }
0x2: {  	[smem:$0x3F9D] =	sst lr;
	_ =	strace $0xD0000000  }
0x3: {  	_ = 	snop  }
0x4: {  	_ = 	snop  }
0x5: {  	_ = 	snop  }
0x6: {  	_ = 	snop  }
0x7: {  	_ = 	snop  }
__scs_overlays_trampoline_lowered:
0x8: {  	[smem:$0x3FAC] =	sst s0  }
0x9: {  	[smem:$0x3FAD] =	sst s1  }
0xa: {  	[smem:$0x3FAE] =	sst s2  }
0xb: {  	[smem:$0x3FAF] =	sst s3  }
0xc: {  	[smem:$0x3FB0] =	sst s4  }
0xd: {  	[smem:$0x3FB1] =	sst s5  }
0xe: {  	[smem:$0x3FB2] =	sst s6  }
0xf: {  	[smem:$0x3FB3] =	sst s7  }
0x10: {  	[smem:$0x3FB4] =	sst s8  }
0x11: {  	[smem:$0x3FB5] =	sst s9;
	s0 =	simm.s32 @!p0 $0x0  }
0x12: {  	s1 =	sld [smem:$0x3F9B];
	s0 =	simm.s32 @p0 $0x1  }
0x13: {  	[smem:$0x3FB6] =	sst s0;
	s0 =	simm.s32 @!p1 $0x0  }
0x14: {  	s2 =	sld [smem:$0x3F9A];
	s0 =	simm.s32 @p1 $0x1  }
0x15: {  	[smem:$0x3FB7] =	sst s0;
	s0 =	simm.s32 @!p2 $0x0  }
0x16: {  	s3 =	sld [smem:$0x3FDB];
	s0 =	simm.s32 @p2 $0x1  }
0x17: {  	s4 =	simm.s32 $0x1BF5;
	[smem:$0x3FB9] =	sst s0  }
0x18: {  	s0 =	sld [smem:$0x3F9C];
	_ =	swait.ge [sflag:s4], $0x0  }
0x19: {  	s7 =	sld [smem:$0x3F9D]  }
0x1a: {  	s8 =	sadd.s32 $0xFFFFE003, lr  }
0x1b: {  	s9 =	sadd.s32 $0xFFFFFEF7, lr;
	s5 =	simm.s32 $0xFFFFFFFF;
	p2 =	slt.u32 s8, $0xFFFFF086  }
0x1c: {  	p1 =	slt.u32 s9, $0xF7A;
	s5 =	simm.s32 @!p2 $0x0  }
0x1d: {  	s5 =	simm.s32 @p1 $0x1;
	p0 =	seq.s32 s7, s2  }
0x1e: {  	s7 =	smul.u32 @!p0 $0xF7A, s2;
	p2 =	seq.s32 @!p0 s5, $0x0  }
0x1f: {  	s9 =	smul.u32 $0xF7A, s1;
	s8 =	simm.s32 @!p0 $0x1BF5;
	p2 =	por !p2, p0  }
0x20: {  	[sflag:s8] =	ssyncset.s32 @!p0 $0xFFFFF086;
	s6 =	sadd.s32 @!p0 s3, s7;
	s7 =	simm.s32 @!p0 $0x108  }
0x21: {  	s3 =	sadd.s32 s3, s9;
	s6 =	sadd.s32 @!p0 $0x88, s6;
	s7 =	simm.s32 @p2 $0x1082  }
0x22: {  	[simem:s7], [sflag:s8] =	dma.local @!p0 [hbm:s6], $0xF7A  }
0x23: {  	s9 =	sor.u32 $0xD0000000, s2;
	s6 =	simm.s32 $0x108;
	_ =	swait.ge @!p0 [sflag:s8], $0x0  }
0x24: {  	s3 =	sadd.s32 $0x88, s3;
	s6 =	simm.s32 @!p1 $0x1082;
	[sflag:s4] =	ssyncset.s32 $0xFFFFF086  }
0x25: {  	[simem:s6], [sflag:s4] =	dma.local [hbm:s3], $0xF7A  }
0x26: {  	[smem:$0x3F9D] =	sst s1;
	(tag) =	ssettag s2;
	_ =	strace s9  }
0x27: {  	s1 =	sld [smem:$0x3FAD]  }
0x28: {  	s2 =	sld [smem:$0x3FAE]  }
0x29: {  	s4 =	sld [smem:$0x3FB0]  }
0x2a: {  	p0 =	seq.s32 s5, $0x0;
	s5 =	sld [smem:$0x3FB1]  }
0x2b: {  	s6 =	sld [smem:$0x3FB2]  }
0x2c: {  	s7 =	sld [smem:$0x3FB3]  }
0x2d: {  	s3 =	simm.s32 $0x108;
	s8 =	sld [smem:$0x3FB4]  }
0x2e: {  	s3 =	simm.s32 @!p0 $0x1082;
	s9 =	sld [smem:$0x3FB5]  }
0x2f: {  	lr =	sadd.s32 s0, s3;
	s0 =	sld [smem:$0x3FAC]  }
0x30: {  	s3 =	sld [smem:$0x3FAF]  }
0x31: {  	[smem:$0x3FB8] =	sst s10  }
0x32: {  	s10 =	sld [smem:$0x3FB6];
	_ =	sdelay $0x3  }
0x33: {  	p0 =	seq.s32 s10, $0x1;
	s10 =	sld [smem:$0x3FB8];
	_ =	sdelay $0x3  }
0x34: {  	[smem:$0x3FB8] =	sst s10  }
0x35: {  	s10 =	sld [smem:$0x3FB7];
	_ =	sdelay $0x3  }
0x36: {  	p1 =	seq.s32 s10, $0x1;
	s10 =	sld [smem:$0x3FB8];
	_ =	sdelay $0x3  }
0x37: {  	[smem:$0x3FB8] =	sst s10  }
0x38: {  	s10 =	sld [smem:$0x3FB9]  }
0x39: {  	_ = 	snop;
	(pc) =	sbr.ind lr, $3  }
0x3a: {  	_ = 	snop  }
0x3b: {  	_ = 	snop  }
0x3c: {  	p2 =	seq.s32 s10, $0x1;
	s10 =	sld [smem:$0x3FB8]  }
0x3d: {  	_ =	shalt  }
0x3e: {  	_ =	shalt  }
0x3f: {  	_ =	shalt  }
0x40: {  	_ =	shalt  }
0x41: {  	_ =	shalt  }
0x42: {  	_ =	shalt  }
0x43: {  	_ =	shalt  }
0x44: {  	_ =	shalt  }
0x45: {  	_ =	shalt  }
0x46: {  	_ =	shalt  }
0x47: {  	_ =	shalt  }
0x48: {  	_ =	shalt  }
0x49: {  	_ =	shalt  }
0x4a: {  	_ =	shalt  }
0x4b: {  	_ =	shalt  }
0x4c: {  	_ =	shalt  }
0x4d: {  	_ =	shalt  }
0x4e: {  	_ =	shalt  }
0x4f: {  	_ =	shalt  }
0x50: {  	_ =	shalt  }
0x51: {  	_ =	shalt  }
0x52: {  	_ =	shalt  }
0x53: {  	_ =	shalt  }
0x54: {  	_ =	shalt  }
0x55: {  	_ =	shalt  }
0x56: {  	_ =	shalt  }
0x57: {  	_ =	shalt  }
0x58: {  	_ =	shalt  }
0x59: {  	_ =	shalt  }
0x5a: {  	_ =	shalt  }
0x5b: {  	_ =	shalt  }
0x5c: {  	_ =	shalt  }
0x5d: {  	_ =	shalt  }
0x5e: {  	_ =	shalt  }
0x5f: {  	_ =	shalt  }
0x60: {  	_ =	shalt  }
0x61: {  	_ =	shalt  }
0x62: {  	_ =	shalt  }
0x63: {  	_ =	shalt  }
0x64: {  	_ =	shalt  }
0x65: {  	_ =	shalt  }
0x66: {  	_ =	shalt  }
0x67: {  	_ =	shalt  }
0x68: {  	_ =	shalt  }
0x69: {  	_ =	shalt  }
0x6a: {  	_ =	shalt  }
0x6b: {  	_ =	shalt  }
0x6c: {  	_ =	shalt  }
0x6d: {  	_ =	shalt  }
0x6e: {  	_ =	shalt  }
0x6f: {  	_ =	shalt  }
0x70: {  	_ =	shalt  }
0x71: {  	_ =	shalt  }
0x72: {  	_ =	shalt  }
0x73: {  	_ =	shalt  }
0x74: {  	_ =	shalt  }
0x75: {  	_ =	shalt  }
0x76: {  	_ =	shalt  }
0x77: {  	_ =	shalt  }
0x78: {  	_ =	shalt  }
0x79: {  	_ =	shalt  }
0x7a: {  	_ =	shalt  }
0x7b: {  	_ =	shalt  }
0x7c: {  	_ =	shalt  }
0x7d: {  	_ =	shalt  }
0x7e: {  	_ =	shalt  }
0x7f: {  	_ =	shalt  }
0x80: {  	_ =	shalt  }
0x81: {  	_ =	shalt  }
0x82: {  	_ =	shalt  }
0x83: {  	_ =	shalt  }
0x84: {  	_ =	shalt  }
0x85: {  	_ =	shalt  }
0x86: {  	_ =	shalt  }
0x87: {  	_ =	shalt  }
.Lfunc_end0:
.L_simem_size_0:
called_computation.3_lowered:
.L_overlay_start_0:
0x88: {  	s2 =	sld [smem:$0x3FD9]  }
0x89: {  	s3 =	sld [smem:$0x3FFE];
	_ =	sdelay $0x1  }
0x8a: {  	s1 =	srdreg.scid  }
0x8b: {  	s0 =	sand.u32 $0x1, s1  }
0x8c: {  	s17 =	sshll.u32 s0, $0xA;
	s2 =	sadd.s32 s3, s2  }
0x8d: {  	s2 =	sadd.s32 s2, s17  }
0x8e: {  	[smem:$0x3FC4] =	sst s2  }
0x8f: {  	_ = 	snop  }
0x90: {  	s2 =	sld [smem:$0x3FD0];
	(tm) =	ssettm $0x1  }
0x91: {  	s18 =	sld [smem:$0x3FFB];
	_ =	sdelay $0x3  }
0x92: {  	_ =	strace s18  }
0x93: {  	s3 =	sld [smem:$0x3FFC];
	_ =	sdelay $0x3  }
0x94: {  	_ =	strace s3  }
0x95: {  	s3 =	sld [smem:$0x3FFD];
	_ =	sdelay $0x3  }
0x96: {  	_ =	strace s3  }
0x97: {  	_ =	strace $0x8FFFFFFF  }
0x98: {  	s19 =	sld [smem:$0x3FDB];
	_ =	sdelay $0x1  }
0x99: {  	s4 =	simm.s32 $_scs_section_size  }
0x9a: {  	s5 =	simm.s32 $_size__tile_overlayer_lowered;
	s6 =	simm.s32 $_tile_overlayer_lowered  }
0x9b: {  	s22 =	simm.s32 $0x1BFF;
	s21 =	sshll.u32 s6, $0x1;
	s3 =	sadd.s32 s4, s19  }
0x9c: {  	s7 =	simm.s32 $0x0;
	s20 =	sshll.u32 s5, $0x1;
	s5 =	sadd.s32 s21, s3  }
0x9d: {  	[timem:s7], [sflag:s22] =	dma.local [hbm:s5], s20  }
0x9e: {  	_ =	swait.ge [sflag:s22], s20  }
0x9f: {  	s4 =	ssub.s32 $0x0, s20;
	[sflag:s22] =	ssyncset.done $0x0  }
0xa0: {  	[sflag:s22] =	ssyncadd.s32 s4;
	_ =	sdelay $0x1  }
0xa1: {  	s23 =	simm.s32 $0x1B8B  }
0xa2: {  	_ =	swait.ge [sflag:s23], $0x1  }
0xa3: {  	[sflag:s23] =	ssyncset.done $0x0  }
0xa4: {  	s25 =	simm.s32 $0x1B8E;
	s24 =	sld [smem:$0x3FFE];
	[sflag:s23] =	ssyncadd.s32 $0xFFFFFFFF  }
0xa5: {  	s26 =	simm.s32 $execute0_lowered;
	[smem:$0x3FD2] =	sst s25  }
0xa6: {  	s5 =	sshll.u32 s26, $0x1;
	_ =	strace $0x80000046;
	[dreg:$0x1] =	wrdreg $0xFFFFFFFF  }
0xa7: {  	s28 =	simm.s32 $_size_execute0_lowered;
	s3 =	sadd.s32 s3, s5;
	[dreg:$0x0] =	wrdreg $0x0  }
0xa8: {  	s5 =	sshll.u32 s28, $0x1;
	[dreg:$0x2] =	wrdreg s3  }
0xa9: {  	[dreg:$0x3] =	wrdreg s5  }
0xaa: {  	[dreg:$0x4] =	wrdreg $0xC0  }
0xab: {  	_ =	task [dreg:s7], $0x5FFFF  }
0xac: {  	[dreg:$0x1] =	wrdreg $0xFFFFFFFF  }
0xad: {  	[dreg:$0x0] =	wrdreg $0x60  }
0xae: {  	[dreg:$0x2] =	wrdreg s2  }
0xaf: {  	[dreg:$0x3] =	wrdreg s24  }
0xb0: {  	[dreg:$0x4] =	wrdreg $0xC  }
0xb1: {  	_ =	task.clear_ibuf [dreg:s7], $0x5FFFF;
	_ =	strace $0x90000046  }
0xb2: {  	s29 =	simm.s32 $0xC;
	_ =	strace $0x80000048  }
0xb3: {  	_ =	swait.ge [sflag:s29], $0x1  }
0xb4: {  	[sflag:s29] =	ssyncadd.s32 $0xFFFFFFFF  }
0xb5: {  	_ =	strace $0x90000048  }
0xb6: {  	_ =	sfence  }
0xb7: {  	s30 =	sld [smem:$0x0];
	_ =	sdelay $0x2  }
0xb8: {  	s31 =	sshll.u32 s1, $0xD;
	s1 =	sshrl.u32 s1, $0x2  }
0xb9: {  	s3 =	sand.u32 $0x4000, s31;
	s1 =	sadd.s32 s1, s30  }
0xba: {  	s0 =	sor.u32 s3, s0;
	s1 =	sshll.u32 s1, $0x11  }
0xbb: {  	s0 =	sor.u32 s1, s0  }
0xbc: {  	s0 =	sadd.s32 $0x8F2B, s0  }
0xbd: {  	[sflag:s0] =	ssyncadd.remote.s32 $0x1  }
0xbe: {  	_ =	sfence.sel $0xFFFF  }
0xbf: {  	[dreg:$0x0] =	wrdreg $0xFFFFFFFF;
	(pc) =	sbr.abs _section_cstart, $3  }
0xc0: {  	[dreg:$0x1] =	wrdreg $0xFFFFFFFF  }
0xc1: {  	_ =	task.clear_ibuf [dreg:s7], $0x2FFFF;
	_ =	strace $0x9FFFFFFF  }
0xc2: {  	(tm) =	ssettm $0x7FFFFFFF  }
0xc3: {  	_ =	shalt  }
tec
execute0_lowered:
.L_overlay_start_1:
0x0: {  	(tag) =	ssettag $0x1  }
0x1: {  	s1 =	srdreg.scid  }
0x2: {  	s0 =	stileid.u32;
	s2 =	rddreg [dreg:$0x0]  }
0x3: {  	s5 =	rddreg [dreg:$0x1];
	s3 =	simm.s32 $0x0;
	s13 =	simm.s32 $0x2  }
0x4: {  	s14 =	simm.s32 $0x0;
	s4 =	sand.u32 $0x1, s1;
	s7 =	smul.u32 $0xA0000, s0  }
0x5: {  	s26 =	sshll.u32 s0, $0x1;
	s1 =	rddreg [dreg:$0x2];
	s11 =	smul.u32 $0x14000, s0  }
0x6: {  	[smem:$0x7FF] =	sst s3;
	s12 =	sadd.s32 $0x1EA00, s5;
	s9 =	smul.u32 $0x50000, s4  }
0x7: {  	s6 =	sor.u32 s4, s26;
	s8 =	ssub.s32 $0x2, s4;
	s29 =	smul.u32 $0xA000, s4  }
0x8: {  	_ =	strace $0x80000047;
	s6 =	smul.u32 $0x180, s6;
	s10 =	sshrl.u32 s8, $0x1  }
0x9: {  	s31 =	sadd.s32 s11, s12;
	s11 =	simm.s32 $0x4C00;
	s28 =	ssub.s32 s8, s10  }
0xa: {  	s30 =	sadd.s32 s9, s7;
	s7 =	sadd.s32 s29, s31;
	s8 =	simm.s32 $0x3  }
0xb: {  	s9 =	simm.s32 $0x80;
	s10 =	simm.s32 $0xC00;
	s6 =	sadd.s32 s6, s5  }
0xc: {  	s5 =	smax.u32 s28, $0x1;
	s4 =	sadd.s32 $0x1BA00, s6;
	s6 =	sshrl.u32 s30, $0x3  }
0xd: {  	s7 =	sadd.s32 $0x800, s7;
	s6 =	sadd.s32 s6, s12;
	s12 =	simm.s32 $0x1  }
.LBB2_1:
0xe: {  	[tilespmem:s3], [sflag:$0x3] =	stream.linear.gather [hbm4b:s4+s3], $0xA00, $0x38;
	[tilespmem:$0x8C00] =	vst v63  }
0xf: {  	_ =	swait.ge [sflag:s8], $0xA00  }
0x10: {  	[sflag:s8] =	ssyncset.done $0x0  }
0x11: {  	[sflag:s8] =	ssyncadd.s32 $0xFFFFF600  }
0x12: {  	[tilespmem:s10], [sflag:$0x1] =	stream.indirect.gather [hbm4b:s2+s9], $0x80, s3, s9, $0xb8;
	[tilespmem:$0x8C00] =	vst v63  }
0x13: {  	s15 =	simm.s32 $0x80  }
0x14: {  	[tilespmem:s11], [sflag:$0x2] =	stream.indirect.gather [hbm4b:s2+s9], $0x80, s15, s9, $0xb8;
	[tilespmem:$0x8C00] =	vst v63  }
0x15: {  	_ =	swait.ge [sflag:s12], $0x4000  }
0x16: {  	[sflag:s12] =	ssyncset.done $0x0  }
0x17: {  	s30 =	sadd.s32 $0x0, s6;
	[sflag:s12] =	ssyncadd.s32 $0xFFFFC000  }
0x18: {  	[hbm4b:s30+s3] =	stream.linear.scatter [tilespmem:s10], [sflag:$0x3], $0x4000, $0x38;
	[tilespmem:$0x8C00] =	vst v63  }
0x19: {  	_ =	swait.ge [sflag:s8], $0x4000  }
0x1a: {  	[sflag:s8] =	ssyncset.done $0x0  }
0x1b: {  	[sflag:s8] =	ssyncadd.s32 $0xFFFFC000  }
0x1c: {  	_ =	swait.ge [sflag:s13], $0x4000  }
0x1d: {  	[sflag:s13] =	ssyncset.done $0x0  }
0x1e: {  	s31 =	sadd.s32 $0x0, s7;
	[sflag:s13] =	ssyncadd.s32 $0xFFFFC000  }
0x1f: {  	[hbm4b:s31+s3] =	stream.linear.scatter [tilespmem:s11], [sflag:$0x3], $0x4000, $0x38;
	[tilespmem:$0x8C00] =	vst v63  }
0x20: {  	_ =	swait.ge [sflag:s8], $0x4000  }
0x21: {  	s16 =	simm.s32 $0x0;
	s15 =	simm.s32 $0x1000;
	[sflag:s8] =	ssyncset.done $0x0  }
.LBB2_2:
0x22: {  	p0 =	sne.s32 s15, $0x9000;
	[sflag:s8] =	ssyncadd.s32 $0xFFFFC000;
	s16 =	sadd.s32 $0x100, s16  }
0x23: {  	[tilespmem:s10], [sflag:$0x1] =	stream.indirect.gather [hbm4b:s2+s9], $0x80, s16, s9, $0xb8;
	[tilespmem:$0x8C00] =	vst v63  }
0x24: {  	s18 =	smov.u32 s15;
	s15 =	sadd.s32 $0x1000, s15;
	s17 =	sadd.s32 $0x80, s16  }
0x25: {  	[tilespmem:s11], [sflag:$0x2] =	stream.indirect.gather [hbm4b:s2+s9], $0x80, s17, s9, $0xb8;
	[tilespmem:$0x8C00] =	vst v63  }
0x26: {  	_ =	swait.ge [sflag:s12], $0x4000  }
0x27: {  	[sflag:s12] =	ssyncset.done $0x0  }
0x28: {  	s17 =	sadd.s32 s18, s6;
	[sflag:s12] =	ssyncadd.s32 $0xFFFFC000  }
0x29: {  	[hbm4b:s17+s3] =	stream.linear.scatter [tilespmem:s10], [sflag:$0x3], $0x4000, $0x38;
	[tilespmem:$0x8C00] =	vst v63  }
0x2a: {  	_ =	swait.ge [sflag:s8], $0x4000  }
0x2b: {  	[sflag:s8] =	ssyncset.done $0x0  }
0x2c: {  	[sflag:s8] =	ssyncadd.s32 $0xFFFFC000  }
0x2d: {  	_ =	swait.ge [sflag:s13], $0x4000  }
.Ltmp0:
0x2e: {  	[sflag:s13] =	ssyncset.done $0x0;
	(pc) =	sbr.rel @p0 .LBB2_2-.Ltmp0, $4  }
0x2f: {  	s17 =	sadd.s32 s18, s7;
	[sflag:s13] =	ssyncadd.s32 $0xFFFFC000  }
0x30: {  	[hbm4b:s17+s3] =	stream.linear.scatter [tilespmem:s11], [sflag:$0x3], $0x4000, $0x38;
	[tilespmem:$0x8C00] =	vst v63  }
0x31: {  	_ =	swait.ge [sflag:s8], $0x4000  }
0x32: {  	[sflag:s8] =	ssyncset.done $0x0  }
0x33: {  	s14 =	sadd.s32 $0x1, s14  }
0x34: {  	p0 =	sne.s32 s14, s5  }
.Ltmp1:
0x35: {  	_ = 	snop;
	(pc) =	sbr.rel @p0 .LBB2_1-.Ltmp1, $2  }
0x36: {  	_ =	sdelay $0x2  }
0x37: {  	[sflag:s8] =	ssyncadd.s32 $0xFFFFC000  }
0x38: {  	_ =	sfence.sel $0x180000  }
0x39: {  	[bflag:$0x0] =	sbarrier.arrive $0xFFFF  }
0x3a: {  	p0 =	sne.s32 s0, $0x0;
	_ =	strace $0x90000047  }
0x3b: {  	s0 =	sadd.s32 @!p0 $0x100000, s1;
	[bflag:$0x2] =	sbarrier.arrive $0xFFFF  }
0x3c: {  	[sflag:s0] =	ssyncadd.tile.s32 @!p0 $0x1;
	_ =	shalt  }
.Lfunc_end2:
_tile_overlayer_lowered:
.L_overlay_start_2:
0x3d: {  	(tag) =	ssettag $0x2  }
0x3e: {  	s0 =	rddreg [dreg:$0x0];
	s2 =	stileid.u32  }
0x3f: {  	s1 =	rddreg [dreg:$0x1];
	p0 =	sne.s32 s2, $0x0  }
0x40: {  	s3 =	rddreg [dreg:$0x2];
	[bflag:$0x3] =	sbarrier.arrive $0xFFFF;
	s2 =	simm.s32 @!p0 $0x1C03  }
0x41: {  	[timem:s3], [sflag:s2] =	dma.local @!p0 [hbm:s0], s1  }
0x42: {  	s0 =	simm.s32 @!p0 $0x3  }
0x43: {  	_ =	swait.ge @!p0 [sflag:s0], s1  }
0x44: {  	s1 =	ssub.s32 @!p0 $0x0, s1;
	[sflag:s0] =	ssyncset.done @!p0 $0x0  }
0x45: {  	[sflag:s0] =	ssyncadd.s32 @!p0 s1  }
0x46: {  	[bflag:$0x3] =	sbarrier.arrive $0xFFFF  }
0x47: {  	_ =	shalt  }

</sc_bundles>
